<compile_context>
chip_gen: v7x
topology: tpu7x:2x2x1
jax: 0.10.2.dev20260603
libtpu: 0.0.44.dev20260713+nightly
codegen_flags: <defaults>
</compile_context>

<pallas_src>
import functools

import jax
import jax.numpy as jnp
from jax import lax
from jax.experimental import pallas as pl
from jax.experimental.pallas import tpu as pltpu
from jax.experimental.pallas import tpu_sc as plsc

_NT = 16384
_D = 2048
_E = 16
_BT = 1024
_STEPS = _NT // _BT
_NW = 32
_CHUNK = _NT // _NW
_GROUPS = _CHUNK // 16


def _matmul_kernel(xa_ref, xb_ref, w_ref, lt_ref):
    w = w_ref[...]
    lta = jax.lax.dot_general(
        w, xa_ref[...], (((1,), (1,)), ((), ())), preferred_element_type=jnp.float32
    )
    ltb = jax.lax.dot_general(
        w, xb_ref[...], (((1,), (1,)), ((), ())), preferred_element_type=jnp.float32
    )
    lt_ref[...] = jnp.concatenate([lta, ltb], axis=1)


def _sc_routing_kernel(lt_hbm, gate_hbm, idx_hbm, part_hbm,
                       lbuf, gbuf, ibuf, accp, accc):
    wid = lax.axis_index("s") * 2 + lax.axis_index("c")
    base = wid * _CHUNK
    pltpu.sync_copy(lt_hbm.at[:, pl.ds(base, _CHUNK)], lbuf)
    zero = jnp.zeros((16,), jnp.float32)
    for e in range(_E):
        accp[e, :] = zero
        accc[e, :] = zero

    def group(g, carry):
        toks = pl.ds(g * 16, 16)
        ls = [lbuf[e, toks] for e in range(_E)]
        m1 = ls[0]
        for e in range(1, _E):
            m1 = jnp.maximum(m1, ls[e])
        idx1 = jnp.full((16,), 16.0, jnp.float32)
        for e in range(_E):
            idx1 = jnp.minimum(
                idx1, jnp.where(ls[e] == m1, jnp.float32(e), 16.0))
        neg = jnp.float32(-3.0e38)
        m2 = jnp.full((16,), neg, jnp.float32)
        for e in range(_E):
            m2 = jnp.maximum(m2, jnp.where(idx1 == e, neg, ls[e]))
        idx2 = jnp.full((16,), 16.0, jnp.float32)
        for e in range(_E):
            cand = jnp.where(idx1 == e, neg, ls[e])
            idx2 = jnp.minimum(
                idx2, jnp.where(cand == m2, jnp.float32(e), 16.0))
        t = jnp.exp(m2 - m1)
        g1 = 1.0 / (1.0 + t)
        gbuf[0, toks] = g1
        gbuf[1, toks] = t * g1
        ibuf[0, toks] = idx1.astype(jnp.int32)
        ibuf[1, toks] = idx2.astype(jnp.int32)
        ps = [jnp.exp(l - m1) for l in ls]
        s = ps[0]
        for e in range(1, _E):
            s = s + ps[e]
        inv = 1.0 / s
        for e in range(_E):
            plsc.addupdate(accp.at[e], ps[e] * inv)
            plsc.addupdate(accc.at[e], jnp.where(idx1 == e, 1.0, 0.0))
        return carry

    lax.fori_loop(0, _GROUPS, group, 0)
    pltpu.sync_copy(gbuf, gate_hbm.at[:, pl.ds(base, _CHUNK)])
    pltpu.sync_copy(ibuf, idx_hbm.at[:, pl.ds(base, _CHUNK)])
    pltpu.sync_copy(accp, part_hbm.at[0, wid])
    pltpu.sync_copy(accc, part_hbm.at[1, wid])


def _loss_kernel(part_ref, loss_ref):
    part = part_ref[...]
    p = jnp.sum(part[0], axis=(0, 2))
    f = jnp.sum(part[1], axis=(0, 2))
    loss = _E * jnp.sum(p * f, keepdims=True) / (_NT * _NT)
    loss_ref[...] = loss.reshape(1, 1)


def kernel(x, W):
    lt = pl.pallas_call(
        _matmul_kernel,
        grid=(_STEPS,),
        in_specs=[
            pl.BlockSpec((_BT // 2, _D), lambda i: (2 * i, 0)),
            pl.BlockSpec((_BT // 2, _D), lambda i: (2 * i + 1, 0)),
            pl.BlockSpec((_E, _D), lambda i: (0, 0)),
        ],
        out_specs=pl.BlockSpec((_E, _BT), lambda i: (0, i)),
        out_shape=jax.ShapeDtypeStruct((_E, _NT), jnp.float32),
        compiler_params=pltpu.CompilerParams(
            vmem_limit_bytes=100 * 1024 * 1024
        ),
    )(x, x, W)

    mesh = plsc.VectorSubcoreMesh(core_axis_name="c", subcore_axis_name="s")
    gate_t, idx_t, part = pl.kernel(
        _sc_routing_kernel,
        out_type=[
            jax.ShapeDtypeStruct((2, _NT), jnp.float32),
            jax.ShapeDtypeStruct((2, _NT), jnp.int32),
            jax.ShapeDtypeStruct((2, _NW, 16, 16), jnp.float32),
        ],
        mesh=mesh,
        scratch_types=[
            pltpu.VMEM((_E, _CHUNK), jnp.float32),
            pltpu.VMEM((2, _CHUNK), jnp.float32),
            pltpu.VMEM((2, _CHUNK), jnp.int32),
            pltpu.VMEM((_E, 16), jnp.float32),
            pltpu.VMEM((_E, 16), jnp.float32),
        ],
    )(lt)

    loss = pl.pallas_call(
        _loss_kernel,
        out_shape=jax.ShapeDtypeStruct((1, 1), jnp.float32),
    )(part)
    return gate_t.T, idx_t.T, loss[0, 0]

# --- scband reference (transcript-rebuilt; emitter-appended) ---
"""Pipeline reference for scband-gating-network-15539191677317 (READ-ONLY COPY).

The authoritative reference and input builder live on the scoring server;
editing this copy changes nothing except your own understanding.
"""

import jax, jax.numpy as jnp
import numpy as np

D_MODEL = 2048
NUM_EXPERTS = 16
TOP_K = 2
NUM_TOKENS = 16384


def setup_inputs(seed: int = 0) -> dict:
    key = jax.random.key(seed)
    k1, k2 = jax.random.split(key)
    x = jax.random.normal(k1, (NUM_TOKENS, D_MODEL), dtype=jnp.float32)
    # gate weight, shape [num_experts, d_model] (nn.Linear(d_model, num_experts, bias=False))
    W = jax.random.normal(k2, (NUM_EXPERTS, D_MODEL), dtype=jnp.float32) * (1.0 / np.sqrt(D_MODEL))
    return {"x": x, "W": W}


def reference(x, W):
    # logits = gate(x) : [num_tokens, num_experts]
    logits = x @ W.T
    # eval mode: no exploration noise (self.training is False)
    # top-k routing
    top_k_logits, top_k_indices = jax.lax.top_k(logits, TOP_K)
    gate_weights = jax.nn.softmax(top_k_logits, axis=-1)
    # load-balance loss (Switch Transformers): N * sum_i(f_i * P_i)
    probs = jax.nn.softmax(logits, axis=-1)
    assignments = jnp.argmax(logits, axis=-1)
    f = jax.nn.one_hot(assignments, NUM_EXPERTS, dtype=jnp.float32).mean(axis=0)
    p = probs.mean(axis=0)
    load_balance_loss = NUM_EXPERTS * jnp.sum(f * p)
    return gate_weights, top_k_indices, load_balance_loss

if __name__ == "__main__":
    import jax
    _d = setup_inputs()
    print(jax.jit(kernel)(*tuple(_d.values())))

</pallas_src>

<mosaic_0001>
#map = affine_map<(d0, d1) -> (0, 0)>
#map1 = affine_map<(d0, d1) -> (0, 0, 0, 0)>
module attributes {stable_mosaic.version = 14 : i64} {
  func.func @_sc_routing_kernel(%arg0: i32, %arg1: i32, %arg2: memref<16x16384xf32, #tpu.memory_space<hbm>>, %arg3: memref<2x16384xf32, #tpu.memory_space<hbm>>, %arg4: memref<2x16384xi32, #tpu.memory_space<hbm>>, %arg5: memref<2x32x16x16xf32, #tpu.memory_space<hbm>>, %arg6: memref<16x512xf32, #tpu.memory_space<vmem>>, %arg7: memref<2x512xf32, #tpu.memory_space<vmem>>, %arg8: memref<2x512xi32, #tpu.memory_space<vmem>>, %arg9: memref<16x16xf32, #tpu.memory_space<vmem>>, %arg10: memref<16x16xf32, #tpu.memory_space<vmem>>) attributes {dimension_semantics = [#tpu.dimension_semantics<core_parallel>, #tpu.dimension_semantics<subcore_parallel>], iteration_bounds = array<i64: 2, 16>, scalar_prefetch = 0 : i64, scratch_operands = 5 : i64, tpu.core_type = #tpu.core_type<sc_vector_subcore>, window_params = [{transform_indices = #map}, {transform_indices = #map}, {transform_indices = #map}, {transform_indices = #map1}]} {
    %mul3A = arith.constant 2 : i32
    %mul3A_0 = arith.muli %arg1, %mul3A : i32
    %add3A = arith.addi %mul3A_0, %arg0 : i32
    %mul3A_1 = arith.constant 512 : i32
    %mul3A_2 = arith.muli %add3A, %mul3A_1 : i32
    "tpu.region"() ({
      %run_scoped3A_201 = tpu.sem_alloc : memref<!tpu.dma_semaphore, #tpu.memory_space<semaphore_mem>>
      %dma_start3A = arith.constant 0 : i32
      %dma_start3A_202 = tpu.memref_slice %arg2[%dma_start3A, %mul3A_2] : memref<16x16384xf32, #tpu.memory_space<hbm>> -> memref<16x512xf32, #tpu.memory_space<hbm>>
      %dma_start3A_203 = arith.constant 0 : i32
      %dma_start3A_204 = tpu.memref_slice %arg2[%dma_start3A_203, %mul3A_2] : memref<16x16384xf32, #tpu.memory_space<hbm>> -> memref<16x512xf32, #tpu.memory_space<hbm>>
      tpu.enqueue_dma source(%dma_start3A_204 : memref<16x512xf32, #tpu.memory_space<hbm>>) target(%arg6 : memref<16x512xf32, #tpu.memory_space<vmem>>) target_semaphore(%run_scoped3A_201 : memref<!tpu.dma_semaphore, #tpu.memory_space<semaphore_mem>>)
      %dma_wait3A = arith.constant 0 : i32
      %dma_wait3A_205 = tpu.memref_slice %arg2[%dma_wait3A, %mul3A_2] : memref<16x16384xf32, #tpu.memory_space<hbm>> -> memref<16x512xf32, #tpu.memory_space<hbm>>
      %dma_wait3A_206 = arith.constant 0 : i32
      %dma_wait3A_207 = tpu.memref_slice %arg2[%dma_wait3A_206, %mul3A_2] : memref<16x16384xf32, #tpu.memory_space<hbm>> -> memref<16x512xf32, #tpu.memory_space<hbm>>
      tpu.wait_dma2 semaphore(%run_scoped3A_201 : memref<!tpu.dma_semaphore, #tpu.memory_space<semaphore_mem>>) src(%dma_wait3A_207 : memref<16x512xf32, #tpu.memory_space<hbm>>) dst(%arg6 : memref<16x512xf32, #tpu.memory_space<vmem>>)
      tpu.yield
    }) : () -> ()
    %broadcast_in_dim3A = arith.constant 0.000000e+00 : f32
    %broadcast_in_dim3A_3 = vector.broadcast %broadcast_in_dim3A : f32 to vector<16xf32>
    %swap3A = arith.constant 0 : i32
    %swap3A_4 = arith.index_cast %swap3A : i32 to index
    %swap3A_5 = arith.constant 0 : index
    %swap3A_6 = tpu.vector_load %arg9[%swap3A_4, %swap3A_5] {strides = array<i32>} : memref<16x16xf32, #tpu.memory_space<vmem>>, vector<1x16xf32>,
    %swap3A_7 = vector.shape_cast %swap3A_6 : vector<1x16xf32> to vector<16xf32>
    %swap3A_8 = vector.shape_cast %broadcast_in_dim3A_3 : vector<16xf32> to vector<1x16xf32>
    tpu.vector_store %arg9[%swap3A_4, %swap3A_5], %swap3A_8 {strides = array<i32>} : memref<16x16xf32, #tpu.memory_space<vmem>>, vector<1x16xf32>,
    %swap3A_9 = arith.constant 0 : i32
    %swap3A_10 = arith.index_cast %swap3A_9 : i32 to index
    %swap3A_11 = arith.constant 0 : index
    %swap3A_12 = tpu.vector_load %arg10[%swap3A_10, %swap3A_11] {strides = array<i32>} : memref<16x16xf32, #tpu.memory_space<vmem>>, vector<1x16xf32>,
    %swap3A_13 = vector.shape_cast %swap3A_12 : vector<1x16xf32> to vector<16xf32>
    %swap3A_14 = vector.shape_cast %broadcast_in_dim3A_3 : vector<16xf32> to vector<1x16xf32>
    tpu.vector_store %arg10[%swap3A_10, %swap3A_11], %swap3A_14 {strides = array<i32>} : memref<16x16xf32, #tpu.memory_space<vmem>>, vector<1x16xf32>,
    %swap3A_15 = arith.constant 1 : i32
    %swap3A_16 = arith.index_cast %swap3A_15 : i32 to index
    %swap3A_17 = arith.constant 0 : index
    %swap3A_18 = tpu.vector_load %arg9[%swap3A_16, %swap3A_17] {strides = array<i32>} : memref<16x16xf32, #tpu.memory_space<vmem>>, vector<1x16xf32>,
    %swap3A_19 = vector.shape_cast %swap3A_18 : vector<1x16xf32> to vector<16xf32>
    %swap3A_20 = vector.shape_cast %broadcast_in_dim3A_3 : vector<16xf32> to vector<1x16xf32>
    tpu.vector_store %arg9[%swap3A_16, %swap3A_17], %swap3A_20 {strides = array<i32>} : memref<16x16xf32, #tpu.memory_space<vmem>>, vector<1x16xf32>,
    %swap3A_21 = arith.constant 1 : i32
    %swap3A_22 = arith.index_cast %swap3A_21 : i32 to index
    %swap3A_23 = arith.constant 0 : index
    %swap3A_24 = tpu.vector_load %arg10[%swap3A_22, %swap3A_23] {strides = array<i32>} : memref<16x16xf32, #tpu.memory_space<vmem>>, vector<1x16xf32>,
    %swap3A_25 = vector.shape_cast %swap3A_24 : vector<1x16xf32> to vector<16xf32>
    %swap3A_26 = vector.shape_cast %broadcast_in_dim3A_3 : vector<16xf32> to vector<1x16xf32>
    tpu.vector_store %arg10[%swap3A_22, %swap3A_23], %swap3A_26 {strides = array<i32>} : memref<16x16xf32, #tpu.memory_space<vmem>>, vector<1x16xf32>,
    %swap3A_27 = arith.constant 2 : i32
    %swap3A_28 = arith.index_cast %swap3A_27 : i32 to index
    %swap3A_29 = arith.constant 0 : index
    %swap3A_30 = tpu.vector_load %arg9[%swap3A_28, %swap3A_29] {strides = array<i32>} : memref<16x16xf32, #tpu.memory_space<vmem>>, vector<1x16xf32>,
    %swap3A_31 = vector.shape_cast %swap3A_30 : vector<1x16xf32> to vector<16xf32>
    %swap3A_32 = vector.shape_cast %broadcast_in_dim3A_3 : vector<16xf32> to vector<1x16xf32>
    tpu.vector_store %arg9[%swap3A_28, %swap3A_29], %swap3A_32 {strides = array<i32>} : memref<16x16xf32, #tpu.memory_space<vmem>>, vector<1x16xf32>,
    %swap3A_33 = arith.constant 2 : i32
    %swap3A_34 = arith.index_cast %swap3A_33 : i32 to index
    %swap3A_35 = arith.constant 0 : index
    %swap3A_36 = tpu.vector_load %arg10[%swap3A_34, %swap3A_35] {strides = array<i32>} : memref<16x16xf32, #tpu.memory_space<vmem>>, vector<1x16xf32>,
    %swap3A_37 = vector.shape_cast %swap3A_36 : vector<1x16xf32> to vector<16xf32>
    %swap3A_38 = vector.shape_cast %broadcast_in_dim3A_3 : vector<16xf32> to vector<1x16xf32>
    tpu.vector_store %arg10[%swap3A_34, %swap3A_35], %swap3A_38 {strides = array<i32>} : memref<16x16xf32, #tpu.memory_space<vmem>>, vector<1x16xf32>,
    %swap3A_39 = arith.constant 3 : i32
    %swap3A_40 = arith.index_cast %swap3A_39 : i32 to index
    %swap3A_41 = arith.constant 0 : index
    %swap3A_42 = tpu.vector_load %arg9[%swap3A_40, %swap3A_41] {strides = array<i32>} : memref<16x16xf32, #tpu.memory_space<vmem>>, vector<1x16xf32>,
    %swap3A_43 = vector.shape_cast %swap3A_42 : vector<1x16xf32> to vector<16xf32>
    %swap3A_44 = vector.shape_cast %broadcast_in_dim3A_3 : vector<16xf32> to vector<1x16xf32>
    tpu.vector_store %arg9[%swap3A_40, %swap3A_41], %swap3A_44 {strides = array<i32>} : memref<16x16xf32, #tpu.memory_space<vmem>>, vector<1x16xf32>,
    %swap3A_45 = arith.constant 3 : i32
    %swap3A_46 = arith.index_cast %swap3A_45 : i32 to index
    %swap3A_47 = arith.constant 0 : index
    %swap3A_48 = tpu.vector_load %arg10[%swap3A_46, %swap3A_47] {strides = array<i32>} : memref<16x16xf32, #tpu.memory_space<vmem>>, vector<1x16xf32>,
    %swap3A_49 = vector.shape_cast %swap3A_48 : vector<1x16xf32> to vector<16xf32>
    %swap3A_50 = vector.shape_cast %broadcast_in_dim3A_3 : vector<16xf32> to vector<1x16xf32>
    tpu.vector_store %arg10[%swap3A_46, %swap3A_47], %swap3A_50 {strides = array<i32>} : memref<16x16xf32, #tpu.memory_space<vmem>>, vector<1x16xf32>,
    %swap3A_51 = arith.constant 4 : i32
    %swap3A_52 = arith.index_cast %swap3A_51 : i32 to index
    %swap3A_53 = arith.constant 0 : index
    %swap3A_54 = tpu.vector_load %arg9[%swap3A_52, %swap3A_53] {strides = array<i32>} : memref<16x16xf32, #tpu.memory_space<vmem>>, vector<1x16xf32>,
    %swap3A_55 = vector.shape_cast %swap3A_54 : vector<1x16xf32> to vector<16xf32>
    %swap3A_56 = vector.shape_cast %broadcast_in_dim3A_3 : vector<16xf32> to vector<1x16xf32>
    tpu.vector_store %arg9[%swap3A_52, %swap3A_53], %swap3A_56 {strides = array<i32>} : memref<16x16xf32, #tpu.memory_space<vmem>>, vector<1x16xf32>,
    %swap3A_57 = arith.constant 4 : i32
    %swap3A_58 = arith.index_cast %swap3A_57 : i32 to index
    %swap3A_59 = arith.constant 0 : index
    %swap3A_60 = tpu.vector_load %arg10[%swap3A_58, %swap3A_59] {strides = array<i32>} : memref<16x16xf32, #tpu.memory_space<vmem>>, vector<1x16xf32>,
    %swap3A_61 = vector.shape_cast %swap3A_60 : vector<1x16xf32> to vector<16xf32>
    %swap3A_62 = vector.shape_cast %broadcast_in_dim3A_3 : vector<16xf32> to vector<1x16xf32>
    tpu.vector_store %arg10[%swap3A_58, %swap3A_59], %swap3A_62 {strides = array<i32>} : memref<16x16xf32, #tpu.memory_space<vmem>>, vector<1x16xf32>,
    %swap3A_63 = arith.constant 5 : i32
    %swap3A_64 = arith.index_cast %swap3A_63 : i32 to index
    %swap3A_65 = arith.constant 0 : index
    %swap3A_66 = tpu.vector_load %arg9[%swap3A_64, %swap3A_65] {strides = array<i32>} : memref<16x16xf32, #tpu.memory_space<vmem>>, vector<1x16xf32>,
    %swap3A_67 = vector.shape_cast %swap3A_66 : vector<1x16xf32> to vector<16xf32>
    %swap3A_68 = vector.shape_cast %broadcast_in_dim3A_3 : vector<16xf32> to vector<1x16xf32>
    tpu.vector_store %arg9[%swap3A_64, %swap3A_65], %swap3A_68 {strides = array<i32>} : memref<16x16xf32, #tpu.memory_space<vmem>>, vector<1x16xf32>,
    %swap3A_69 = arith.constant 5 : i32
    %swap3A_70 = arith.index_cast %swap3A_69 : i32 to index
    %swap3A_71 = arith.constant 0 : index
    %swap3A_72 = tpu.vector_load %arg10[%swap3A_70, %swap3A_71] {strides = array<i32>} : memref<16x16xf32, #tpu.memory_space<vmem>>, vector<1x16xf32>,
    %swap3A_73 = vector.shape_cast %swap3A_72 : vector<1x16xf32> to vector<16xf32>
    %swap3A_74 = vector.shape_cast %broadcast_in_dim3A_3 : vector<16xf32> to vector<1x16xf32>
    tpu.vector_store %arg10[%swap3A_70, %swap3A_71], %swap3A_74 {strides = array<i32>} : memref<16x16xf32, #tpu.memory_space<vmem>>, vector<1x16xf32>,
    %swap3A_75 = arith.constant 6 : i32
    %swap3A_76 = arith.index_cast %swap3A_75 : i32 to index
    %swap3A_77 = arith.constant 0 : index
    %swap3A_78 = tpu.vector_load %arg9[%swap3A_76, %swap3A_77] {strides = array<i32>} : memref<16x16xf32, #tpu.memory_space<vmem>>, vector<1x16xf32>,
    %swap3A_79 = vector.shape_cast %swap3A_78 : vector<1x16xf32> to vector<16xf32>
    %swap3A_80 = vector.shape_cast %broadcast_in_dim3A_3 : vector<16xf32> to vector<1x16xf32>
    tpu.vector_store %arg9[%swap3A_76, %swap3A_77], %swap3A_80 {strides = array<i32>} : memref<16x16xf32, #tpu.memory_space<vmem>>, vector<1x16xf32>,
    %swap3A_81 = arith.constant 6 : i32
    %swap3A_82 = arith.index_cast %swap3A_81 : i32 to index
    %swap3A_83 = arith.constant 0 : index
    %swap3A_84 = tpu.vector_load %arg10[%swap3A_82, %swap3A_83] {strides = array<i32>} : memref<16x16xf32, #tpu.memory_space<vmem>>, vector<1x16xf32>,
    %swap3A_85 = vector.shape_cast %swap3A_84 : vector<1x16xf32> to vector<16xf32>
    %swap3A_86 = vector.shape_cast %broadcast_in_dim3A_3 : vector<16xf32> to vector<1x16xf32>
    tpu.vector_store %arg10[%swap3A_82, %swap3A_83], %swap3A_86 {strides = array<i32>} : memref<16x16xf32, #tpu.memory_space<vmem>>, vector<1x16xf32>,
    %swap3A_87 = arith.constant 7 : i32
    %swap3A_88 = arith.index_cast %swap3A_87 : i32 to index
    %swap3A_89 = arith.constant 0 : index
    %swap3A_90 = tpu.vector_load %arg9[%swap3A_88, %swap3A_89] {strides = array<i32>} : memref<16x16xf32, #tpu.memory_space<vmem>>, vector<1x16xf32>,
    %swap3A_91 = vector.shape_cast %swap3A_90 : vector<1x16xf32> to vector<16xf32>
    %swap3A_92 = vector.shape_cast %broadcast_in_dim3A_3 : vector<16xf32> to vector<1x16xf32>
    tpu.vector_store %arg9[%swap3A_88, %swap3A_89], %swap3A_92 {strides = array<i32>} : memref<16x16xf32, #tpu.memory_space<vmem>>, vector<1x16xf32>,
    %swap3A_93 = arith.constant 7 : i32
    %swap3A_94 = arith.index_cast %swap3A_93 : i32 to index
    %swap3A_95 = arith.constant 0 : index
    %swap3A_96 = tpu.vector_load %arg10[%swap3A_94, %swap3A_95] {strides = array<i32>} : memref<16x16xf32, #tpu.memory_space<vmem>>, vector<1x16xf32>,
    %swap3A_97 = vector.shape_cast %swap3A_96 : vector<1x16xf32> to vector<16xf32>
    %swap3A_98 = vector.shape_cast %broadcast_in_dim3A_3 : vector<16xf32> to vector<1x16xf32>
    tpu.vector_store %arg10[%swap3A_94, %swap3A_95], %swap3A_98 {strides = array<i32>} : memref<16x16xf32, #tpu.memory_space<vmem>>, vector<1x16xf32>,
    %swap3A_99 = arith.constant 8 : i32
    %swap3A_100 = arith.index_cast %swap3A_99 : i32 to index
    %swap3A_101 = arith.constant 0 : index
    %swap3A_102 = tpu.vector_load %arg9[%swap3A_100, %swap3A_101] {strides = array<i32>} : memref<16x16xf32, #tpu.memory_space<vmem>>, vector<1x16xf32>,
    %swap3A_103 = vector.shape_cast %swap3A_102 : vector<1x16xf32> to vector<16xf32>
    %swap3A_104 = vector.shape_cast %broadcast_in_dim3A_3 : vector<16xf32> to vector<1x16xf32>
    tpu.vector_store %arg9[%swap3A_100, %swap3A_101], %swap3A_104 {strides = array<i32>} : memref<16x16xf32, #tpu.memory_space<vmem>>, vector<1x16xf32>,
    %swap3A_105 = arith.constant 8 : i32
    %swap3A_106 = arith.index_cast %swap3A_105 : i32 to index
    %swap3A_107 = arith.constant 0 : index
    %swap3A_108 = tpu.vector_load %arg10[%swap3A_106, %swap3A_107] {strides = array<i32>} : memref<16x16xf32, #tpu.memory_space<vmem>>, vector<1x16xf32>,
    %swap3A_109 = vector.shape_cast %swap3A_108 : vector<1x16xf32> to vector<16xf32>
    %swap3A_110 = vector.shape_cast %broadcast_in_dim3A_3 : vector<16xf32> to vector<1x16xf32>
    tpu.vector_store %arg10[%swap3A_106, %swap3A_107], %swap3A_110 {strides = array<i32>} : memref<16x16xf32, #tpu.memory_space<vmem>>, vector<1x16xf32>,
    %swap3A_111 = arith.constant 9 : i32
    %swap3A_112 = arith.index_cast %swap3A_111 : i32 to index
    %swap3A_113 = arith.constant 0 : index
    %swap3A_114 = tpu.vector_load %arg9[%swap3A_112, %swap3A_113] {strides = array<i32>} : memref<16x16xf32, #tpu.memory_space<vmem>>, vector<1x16xf32>,
    %swap3A_115 = vector.shape_cast %swap3A_114 : vector<1x16xf32> to vector<16xf32>
    %swap3A_116 = vector.shape_cast %broadcast_in_dim3A_3 : vector<16xf32> to vector<1x16xf32>
    tpu.vector_store %arg9[%swap3A_112, %swap3A_113], %swap3A_116 {strides = array<i32>} : memref<16x16xf32, #tpu.memory_space<vmem>>, vector<1x16xf32>,
    %swap3A_117 = arith.constant 9 : i32
    %swap3A_118 = arith.index_cast %swap3A_117 : i32 to index
    %swap3A_119 = arith.constant 0 : index
    %swap3A_120 = tpu.vector_load %arg10[%swap3A_118, %swap3A_119] {strides = array<i32>} : memref<16x16xf32, #tpu.memory_space<vmem>>, vector<1x16xf32>,
    %swap3A_121 = vector.shape_cast %swap3A_120 : vector<1x16xf32> to vector<16xf32>
    %swap3A_122 = vector.shape_cast %broadcast_in_dim3A_3 : vector<16xf32> to vector<1x16xf32>
    tpu.vector_store %arg10[%swap3A_118, %swap3A_119], %swap3A_122 {strides = array<i32>} : memref<16x16xf32, #tpu.memory_space<vmem>>, vector<1x16xf32>,
    %swap3A_123 = arith.constant 10 : i32
    %swap3A_124 = arith.index_cast %swap3A_123 : i32 to index
    %swap3A_125 = arith.constant 0 : index
    %swap3A_126 = tpu.vector_load %arg9[%swap3A_124, %swap3A_125] {strides = array<i32>} : memref<16x16xf32, #tpu.memory_space<vmem>>, vector<1x16xf32>,
    %swap3A_127 = vector.shape_cast %swap3A_126 : vector<1x16xf32> to vector<16xf32>
    %swap3A_128 = vector.shape_cast %broadcast_in_dim3A_3 : vector<16xf32> to vector<1x16xf32>
    tpu.vector_store %arg9[%swap3A_124, %swap3A_125], %swap3A_128 {strides = array<i32>} : memref<16x16xf32, #tpu.memory_space<vmem>>, vector<1x16xf32>,
    %swap3A_129 = arith.constant 10 : i32
    %swap3A_130 = arith.index_cast %swap3A_129 : i32 to index
    %swap3A_131 = arith.constant 0 : index
    %swap3A_132 = tpu.vector_load %arg10[%swap3A_130, %swap3A_131] {strides = array<i32>} : memref<16x16xf32, #tpu.memory_space<vmem>>, vector<1x16xf32>,
    %swap3A_133 = vector.shape_cast %swap3A_132 : vector<1x16xf32> to vector<16xf32>
    %swap3A_134 = vector.shape_cast %broadcast_in_dim3A_3 : vector<16xf32> to vector<1x16xf32>
    tpu.vector_store %arg10[%swap3A_130, %swap3A_131], %swap3A_134 {strides = array<i32>} : memref<16x16xf32, #tpu.memory_space<vmem>>, vector<1x16xf32>,
    %swap3A_135 = arith.constant 11 : i32
    %swap3A_136 = arith.index_cast %swap3A_135 : i32 to index
    %swap3A_137 = arith.constant 0 : index
    %swap3A_138 = tpu.vector_load %arg9[%swap3A_136, %swap3A_137] {strides = array<i32>} : memref<16x16xf32, #tpu.memory_space<vmem>>, vector<1x16xf32>,
    %swap3A_139 = vector.shape_cast %swap3A_138 : vector<1x16xf32> to vector<16xf32>
    %swap3A_140 = vector.shape_cast %broadcast_in_dim3A_3 : vector<16xf32> to vector<1x16xf32>
    tpu.vector_store %arg9[%swap3A_136, %swap3A_137], %swap3A_140 {strides = array<i32>} : memref<16x16xf32, #tpu.memory_space<vmem>>, vector<1x16xf32>,
    %swap3A_141 = arith.constant 11 : i32
    %swap3A_142 = arith.index_cast %swap3A_141 : i32 to index
    %swap3A_143 = arith.constant 0 : index
    %swap3A_144 = tpu.vector_load %arg10[%swap3A_142, %swap3A_143] {strides = array<i32>} : memref<16x16xf32, #tpu.memory_space<vmem>>, vector<1x16xf32>,
    %swap3A_145 = vector.shape_cast %swap3A_144 : vector<1x16xf32> to vector<16xf32>
    %swap3A_146 = vector.shape_cast %broadcast_in_dim3A_3 : vector<16xf32> to vector<1x16xf32>
    tpu.vector_store %arg10[%swap3A_142, %swap3A_143], %swap3A_146 {strides = array<i32>} : memref<16x16xf32, #tpu.memory_space<vmem>>, vector<1x16xf32>,
    %swap3A_147 = arith.constant 12 : i32
    %swap3A_148 = arith.index_cast %swap3A_147 : i32 to index
    %swap3A_149 = arith.constant 0 : index
    %swap3A_150 = tpu.vector_load %arg9[%swap3A_148, %swap3A_149] {strides = array<i32>} : memref<16x16xf32, #tpu.memory_space<vmem>>, vector<1x16xf32>,
    %swap3A_151 = vector.shape_cast %swap3A_150 : vector<1x16xf32> to vector<16xf32>
    %swap3A_152 = vector.shape_cast %broadcast_in_dim3A_3 : vector<16xf32> to vector<1x16xf32>
    tpu.vector_store %arg9[%swap3A_148, %swap3A_149], %swap3A_152 {strides = array<i32>} : memref<16x16xf32, #tpu.memory_space<vmem>>, vector<1x16xf32>,
    %swap3A_153 = arith.constant 12 : i32
    %swap3A_154 = arith.index_cast %swap3A_153 : i32 to index
    %swap3A_155 = arith.constant 0 : index
    %swap3A_156 = tpu.vector_load %arg10[%swap3A_154, %swap3A_155] {strides = array<i32>} : memref<16x16xf32, #tpu.memory_space<vmem>>, vector<1x16xf32>,
    %swap3A_157 = vector.shape_cast %swap3A_156 : vector<1x16xf32> to vector<16xf32>
    %swap3A_158 = vector.shape_cast %broadcast_in_dim3A_3 : vector<16xf32> to vector<1x16xf32>
    tpu.vector_store %arg10[%swap3A_154, %swap3A_155], %swap3A_158 {strides = array<i32>} : memref<16x16xf32, #tpu.memory_space<vmem>>, vector<1x16xf32>,
    %swap3A_159 = arith.constant 13 : i32
    %swap3A_160 = arith.index_cast %swap3A_159 : i32 to index
    %swap3A_161 = arith.constant 0 : index
    %swap3A_162 = tpu.vector_load %arg9[%swap3A_160, %swap3A_161] {strides = array<i32>} : memref<16x16xf32, #tpu.memory_space<vmem>>, vector<1x16xf32>,
    %swap3A_163 = vector.shape_cast %swap3A_162 : vector<1x16xf32> to vector<16xf32>
    %swap3A_164 = vector.shape_cast %broadcast_in_dim3A_3 : vector<16xf32> to vector<1x16xf32>
    tpu.vector_store %arg9[%swap3A_160, %swap3A_161], %swap3A_164 {strides = array<i32>} : memref<16x16xf32, #tpu.memory_space<vmem>>, vector<1x16xf32>,
    %swap3A_165 = arith.constant 13 : i32
    %swap3A_166 = arith.index_cast %swap3A_165 : i32 to index
    %swap3A_167 = arith.constant 0 : index
    %swap3A_168 = tpu.vector_load %arg10[%swap3A_166, %swap3A_167] {strides = array<i32>} : memref<16x16xf32, #tpu.memory_space<vmem>>, vector<1x16xf32>,
    %swap3A_169 = vector.shape_cast %swap3A_168 : vector<1x16xf32> to vector<16xf32>
    %swap3A_170 = vector.shape_cast %broadcast_in_dim3A_3 : vector<16xf32> to vector<1x16xf32>
    tpu.vector_store %arg10[%swap3A_166, %swap3A_167], %swap3A_170 {strides = array<i32>} : memref<16x16xf32, #tpu.memory_space<vmem>>, vector<1x16xf32>,
    %swap3A_171 = arith.constant 14 : i32
    %swap3A_172 = arith.index_cast %swap3A_171 : i32 to index
    %swap3A_173 = arith.constant 0 : index
    %swap3A_174 = tpu.vector_load %arg9[%swap3A_172, %swap3A_173] {strides = array<i32>} : memref<16x16xf32, #tpu.memory_space<vmem>>, vector<1x16xf32>,
    %swap3A_175 = vector.shape_cast %swap3A_174 : vector<1x16xf32> to vector<16xf32>
    %swap3A_176 = vector.shape_cast %broadcast_in_dim3A_3 : vector<16xf32> to vector<1x16xf32>
    tpu.vector_store %arg9[%swap3A_172, %swap3A_173], %swap3A_176 {strides = array<i32>} : memref<16x16xf32, #tpu.memory_space<vmem>>, vector<1x16xf32>,
    %swap3A_177 = arith.constant 14 : i32
    %swap3A_178 = arith.index_cast %swap3A_177 : i32 to index
    %swap3A_179 = arith.constant 0 : index
    %swap3A_180 = tpu.vector_load %arg10[%swap3A_178, %swap3A_179] {strides = array<i32>} : memref<16x16xf32, #tpu.memory_space<vmem>>, vector<1x16xf32>,
    %swap3A_181 = vector.shape_cast %swap3A_180 : vector<1x16xf32> to vector<16xf32>
    %swap3A_182 = vector.shape_cast %broadcast_in_dim3A_3 : vector<16xf32> to vector<1x16xf32>
    tpu.vector_store %arg10[%swap3A_178, %swap3A_179], %swap3A_182 {strides = array<i32>} : memref<16x16xf32, #tpu.memory_space<vmem>>, vector<1x16xf32>,
    %swap3A_183 = arith.constant 15 : i32
    %swap3A_184 = arith.index_cast %swap3A_183 : i32 to index
    %swap3A_185 = arith.constant 0 : index
    %swap3A_186 = tpu.vector_load %arg9[%swap3A_184, %swap3A_185] {strides = array<i32>} : memref<16x16xf32, #tpu.memory_space<vmem>>, vector<1x16xf32>,
    %swap3A_187 = vector.shape_cast %swap3A_186 : vector<1x16xf32> to vector<16xf32>
    %swap3A_188 = vector.shape_cast %broadcast_in_dim3A_3 : vector<16xf32> to vector<1x16xf32>
    tpu.vector_store %arg9[%swap3A_184, %swap3A_185], %swap3A_188 {strides = array<i32>} : memref<16x16xf32, #tpu.memory_space<vmem>>, vector<1x16xf32>,
    %swap3A_189 = arith.constant 15 : i32
    %swap3A_190 = arith.index_cast %swap3A_189 : i32 to index
    %swap3A_191 = arith.constant 0 : index
    %swap3A_192 = tpu.vector_load %arg10[%swap3A_190, %swap3A_191] {strides = array<i32>} : memref<16x16xf32, #tpu.memory_space<vmem>>, vector<1x16xf32>,
    %swap3A_193 = vector.shape_cast %swap3A_192 : vector<1x16xf32> to vector<16xf32>
    %swap3A_194 = vector.shape_cast %broadcast_in_dim3A_3 : vector<16xf32> to vector<1x16xf32>
    tpu.vector_store %arg10[%swap3A_190, %swap3A_191], %swap3A_194 {strides = array<i32>} : memref<16x16xf32, #tpu.memory_space<vmem>>, vector<1x16xf32>,
    %scan3A = arith.constant 0 : i32
    %scan3A_195 = arith.constant 0 : i32
    %scan3A_196 = arith.constant 32 : i32
    %scan3A_197 = arith.addi %scan3A_195, %scan3A_196 : i32
    %scan3A_198 = arith.constant 1 : i32
    scf.for %scan3A_201 = %scan3A_195 to %scan3A_197 step %scan3A_198  : i32 {
      %mul3A_202 = arith.constant 16 : i32
      %mul3A_203 = arith.muli %scan3A_201, %mul3A_202 : i32
      %get3A = arith.constant 0 : i32
      %get3A_204 = arith.index_cast %get3A : i32 to index
      %get3A_205 = arith.index_cast %mul3A_203 : i32 to index
      %get3A_206 = tpu.vector_load %arg6[%get3A_204, %get3A_205] {strides = array<i32>} : memref<16x512xf32, #tpu.memory_space<vmem>>, vector<1x16xf32>,
      %get3A_207 = vector.shape_cast %get3A_206 : vector<1x16xf32> to vector<16xf32>
      %get3A_208 = arith.constant 1 : i32
      %get3A_209 = arith.index_cast %get3A_208 : i32 to index
      %get3A_210 = arith.index_cast %mul3A_203 : i32 to index
      %get3A_211 = tpu.vector_load %arg6[%get3A_209, %get3A_210] {strides = array<i32>} : memref<16x512xf32, #tpu.memory_space<vmem>>, vector<1x16xf32>,
      %get3A_212 = vector.shape_cast %get3A_211 : vector<1x16xf32> to vector<16xf32>
      %get3A_213 = arith.constant 2 : i32
      %get3A_214 = arith.index_cast %get3A_213 : i32 to index
      %get3A_215 = arith.index_cast %mul3A_203 : i32 to index
      %get3A_216 = tpu.vector_load %arg6[%get3A_214, %get3A_215] {strides = array<i32>} : memref<16x512xf32, #tpu.memory_space<vmem>>, vector<1x16xf32>,
      %get3A_217 = vector.shape_cast %get3A_216 : vector<1x16xf32> to vector<16xf32>
      %get3A_218 = arith.constant 3 : i32
      %get3A_219 = arith.index_cast %get3A_218 : i32 to index
      %get3A_220 = arith.index_cast %mul3A_203 : i32 to index
      %get3A_221 = tpu.vector_load %arg6[%get3A_219, %get3A_220] {strides = array<i32>} : memref<16x512xf32, #tpu.memory_space<vmem>>, vector<1x16xf32>,
      %get3A_222 = vector.shape_cast %get3A_221 : vector<1x16xf32> to vector<16xf32>
      %get3A_223 = arith.constant 4 : i32
      %get3A_224 = arith.index_cast %get3A_223 : i32 to index
      %get3A_225 = arith.index_cast %mul3A_203 : i32 to index
      %get3A_226 = tpu.vector_load %arg6[%get3A_224, %get3A_225] {strides = array<i32>} : memref<16x512xf32, #tpu.memory_space<vmem>>, vector<1x16xf32>,
      %get3A_227 = vector.shape_cast %get3A_226 : vector<1x16xf32> to vector<16xf32>
      %get3A_228 = arith.constant 5 : i32
      %get3A_229 = arith.index_cast %get3A_228 : i32 to index
      %get3A_230 = arith.index_cast %mul3A_203 : i32 to index
      %get3A_231 = tpu.vector_load %arg6[%get3A_229, %get3A_230] {strides = array<i32>} : memref<16x512xf32, #tpu.memory_space<vmem>>, vector<1x16xf32>,
      %get3A_232 = vector.shape_cast %get3A_231 : vector<1x16xf32> to vector<16xf32>
      %get3A_233 = arith.constant 6 : i32
      %get3A_234 = arith.index_cast %get3A_233 : i32 to index
      %get3A_235 = arith.index_cast %mul3A_203 : i32 to index
      %get3A_236 = tpu.vector_load %arg6[%get3A_234, %get3A_235] {strides = array<i32>} : memref<16x512xf32, #tpu.memory_space<vmem>>, vector<1x16xf32>,
      %get3A_237 = vector.shape_cast %get3A_236 : vector<1x16xf32> to vector<16xf32>
      %get3A_238 = arith.constant 7 : i32
      %get3A_239 = arith.index_cast %get3A_238 : i32 to index
      %get3A_240 = arith.index_cast %mul3A_203 : i32 to index
      %get3A_241 = tpu.vector_load %arg6[%get3A_239, %get3A_240] {strides = array<i32>} : memref<16x512xf32, #tpu.memory_space<vmem>>, vector<1x16xf32>,
      %get3A_242 = vector.shape_cast %get3A_241 : vector<1x16xf32> to vector<16xf32>
      %get3A_243 = arith.constant 8 : i32
      %get3A_244 = arith.index_cast %get3A_243 : i32 to index
      %get3A_245 = arith.index_cast %mul3A_203 : i32 to index
      %get3A_246 = tpu.vector_load %arg6[%get3A_244, %get3A_245] {strides = array<i32>} : memref<16x512xf32, #tpu.memory_space<vmem>>, vector<1x16xf32>,
      %get3A_247 = vector.shape_cast %get3A_246 : vector<1x16xf32> to vector<16xf32>
      %get3A_248 = arith.constant 9 : i32
      %get3A_249 = arith.index_cast %get3A_248 : i32 to index
      %get3A_250 = arith.index_cast %mul3A_203 : i32 to index
      %get3A_251 = tpu.vector_load %arg6[%get3A_249, %get3A_250] {strides = array<i32>} : memref<16x512xf32, #tpu.memory_space<vmem>>, vector<1x16xf32>,
      %get3A_252 = vector.shape_cast %get3A_251 : vector<1x16xf32> to vector<16xf32>
      %get3A_253 = arith.constant 10 : i32
      %get3A_254 = arith.index_cast %get3A_253 : i32 to index
      %get3A_255 = arith.index_cast %mul3A_203 : i32 to index
      %get3A_256 = tpu.vector_load %arg6[%get3A_254, %get3A_255] {strides = array<i32>} : memref<16x512xf32, #tpu.memory_space<vmem>>, vector<1x16xf32>,
      %get3A_257 = vector.shape_cast %get3A_256 : vector<1x16xf32> to vector<16xf32>
      %get3A_258 = arith.constant 11 : i32
      %get3A_259 = arith.index_cast %get3A_258 : i32 to index
      %get3A_260 = arith.index_cast %mul3A_203 : i32 to index
      %get3A_261 = tpu.vector_load %arg6[%get3A_259, %get3A_260] {strides = array<i32>} : memref<16x512xf32, #tpu.memory_space<vmem>>, vector<1x16xf32>,
      %get3A_262 = vector.shape_cast %get3A_261 : vector<1x16xf32> to vector<16xf32>
      %get3A_263 = arith.constant 12 : i32
      %get3A_264 = arith.index_cast %get3A_263 : i32 to index
      %get3A_265 = arith.index_cast %mul3A_203 : i32 to index
      %get3A_266 = tpu.vector_load %arg6[%get3A_264, %get3A_265] {strides = array<i32>} : memref<16x512xf32, #tpu.memory_space<vmem>>, vector<1x16xf32>,
      %get3A_267 = vector.shape_cast %get3A_266 : vector<1x16xf32> to vector<16xf32>
      %get3A_268 = arith.constant 13 : i32
      %get3A_269 = arith.index_cast %get3A_268 : i32 to index
      %get3A_270 = arith.index_cast %mul3A_203 : i32 to index
      %get3A_271 = tpu.vector_load %arg6[%get3A_269, %get3A_270] {strides = array<i32>} : memref<16x512xf32, #tpu.memory_space<vmem>>, vector<1x16xf32>,
      %get3A_272 = vector.shape_cast %get3A_271 : vector<1x16xf32> to vector<16xf32>
      %get3A_273 = arith.constant 14 : i32
      %get3A_274 = arith.index_cast %get3A_273 : i32 to index
      %get3A_275 = arith.index_cast %mul3A_203 : i32 to index
      %get3A_276 = tpu.vector_load %arg6[%get3A_274, %get3A_275] {strides = array<i32>} : memref<16x512xf32, #tpu.memory_space<vmem>>, vector<1x16xf32>,
      %get3A_277 = vector.shape_cast %get3A_276 : vector<1x16xf32> to vector<16xf32>
      %get3A_278 = arith.constant 15 : i32
      %get3A_279 = arith.index_cast %get3A_278 : i32 to index
      %get3A_280 = arith.index_cast %mul3A_203 : i32 to index
      %get3A_281 = tpu.vector_load %arg6[%get3A_279, %get3A_280] {strides = array<i32>} : memref<16x512xf32, #tpu.memory_space<vmem>>, vector<1x16xf32>,
      %get3A_282 = vector.shape_cast %get3A_281 : vector<1x16xf32> to vector<16xf32>
      %max3A = arith.maximumf %get3A_207, %get3A_212 : vector<16xf32>
      %max3A_283 = arith.maximumf %max3A, %get3A_217 : vector<16xf32>
      %max3A_284 = arith.maximumf %max3A_283, %get3A_222 : vector<16xf32>
      %max3A_285 = arith.maximumf %max3A_284, %get3A_227 : vector<16xf32>
      %max3A_286 = arith.maximumf %max3A_285, %get3A_232 : vector<16xf32>
      %max3A_287 = arith.maximumf %max3A_286, %get3A_237 : vector<16xf32>
      %max3A_288 = arith.maximumf %max3A_287, %get3A_242 : vector<16xf32>
      %max3A_289 = arith.maximumf %max3A_288, %get3A_247 : vector<16xf32>
      %max3A_290 = arith.maximumf %max3A_289, %get3A_252 : vector<16xf32>
      %max3A_291 = arith.maximumf %max3A_290, %get3A_257 : vector<16xf32>
      %max3A_292 = arith.maximumf %max3A_291, %get3A_262 : vector<16xf32>
      %max3A_293 = arith.maximumf %max3A_292, %get3A_267 : vector<16xf32>
      %max3A_294 = arith.maximumf %max3A_293, %get3A_272 : vector<16xf32>
      %max3A_295 = arith.maximumf %max3A_294, %get3A_277 : vector<16xf32>
      %max3A_296 = arith.maximumf %max3A_295, %get3A_282 : vector<16xf32>
      %broadcast_in_dim3A_297 = arith.constant 1.600000e+01 : f32
      %broadcast_in_dim3A_298 = vector.broadcast %broadcast_in_dim3A_297 : f32 to vector<16xf32>
      %eq3A = arith.cmpf oeq, %get3A_207, %max3A_296 : vector<16xf32>
      %jit3A = arith.constant 0.000000e+00 : f32
      %jit3A_299 = arith.constant 1.600000e+01 : f32
      %broadcast_in_dim3A_300 = vector.broadcast %jit3A : f32 to vector<16xf32>
      %broadcast_in_dim3A_301 = vector.broadcast %jit3A_299 : f32 to vector<16xf32>
      %select_n3A = arith.select %eq3A, %broadcast_in_dim3A_300, %broadcast_in_dim3A_301 : vector<16xi1>, vector<16xf32>
      %min3A = arith.minimumf %broadcast_in_dim3A_298, %select_n3A : vector<16xf32>
      %eq3A_302 = arith.cmpf oeq, %get3A_212, %max3A_296 : vector<16xf32>
      %jit3A_303 = arith.constant 1.000000e+00 : f32
      %jit3A_304 = arith.constant 1.600000e+01 : f32
      %broadcast_in_dim3A_305 = vector.broadcast %jit3A_303 : f32 to vector<16xf32>
      %broadcast_in_dim3A_306 = vector.broadcast %jit3A_304 : f32 to vector<16xf32>
      %select_n3A_307 = arith.select %eq3A_302, %broadcast_in_dim3A_305, %broadcast_in_dim3A_306 : vector<16xi1>, vector<16xf32>
      %min3A_308 = arith.minimumf %min3A, %select_n3A_307 : vector<16xf32>
      %eq3A_309 = arith.cmpf oeq, %get3A_217, %max3A_296 : vector<16xf32>
      %jit3A_310 = arith.constant 2.000000e+00 : f32
      %jit3A_311 = arith.constant 1.600000e+01 : f32
      %broadcast_in_dim3A_312 = vector.broadcast %jit3A_310 : f32 to vector<16xf32>
      %broadcast_in_dim3A_313 = vector.broadcast %jit3A_311 : f32 to vector<16xf32>
      %select_n3A_314 = arith.select %eq3A_309, %broadcast_in_dim3A_312, %broadcast_in_dim3A_313 : vector<16xi1>, vector<16xf32>
      %min3A_315 = arith.minimumf %min3A_308, %select_n3A_314 : vector<16xf32>
      %eq3A_316 = arith.cmpf oeq, %get3A_222, %max3A_296 : vector<16xf32>
      %jit3A_317 = arith.constant 3.000000e+00 : f32
      %jit3A_318 = arith.constant 1.600000e+01 : f32
      %broadcast_in_dim3A_319 = vector.broadcast %jit3A_317 : f32 to vector<16xf32>
      %broadcast_in_dim3A_320 = vector.broadcast %jit3A_318 : f32 to vector<16xf32>
      %select_n3A_321 = arith.select %eq3A_316, %broadcast_in_dim3A_319, %broadcast_in_dim3A_320 : vector<16xi1>, vector<16xf32>
      %min3A_322 = arith.minimumf %min3A_315, %select_n3A_321 : vector<16xf32>
      %eq3A_323 = arith.cmpf oeq, %get3A_227, %max3A_296 : vector<16xf32>
      %jit3A_324 = arith.constant 4.000000e+00 : f32
      %jit3A_325 = arith.constant 1.600000e+01 : f32
      %broadcast_in_dim3A_326 = vector.broadcast %jit3A_324 : f32 to vector<16xf32>
      %broadcast_in_dim3A_327 = vector.broadcast %jit3A_325 : f32 to vector<16xf32>
      %select_n3A_328 = arith.select %eq3A_323, %broadcast_in_dim3A_326, %broadcast_in_dim3A_327 : vector<16xi1>, vector<16xf32>
      %min3A_329 = arith.minimumf %min3A_322, %select_n3A_328 : vector<16xf32>
      %eq3A_330 = arith.cmpf oeq, %get3A_232, %max3A_296 : vector<16xf32>
      %jit3A_331 = arith.constant 5.000000e+00 : f32
      %jit3A_332 = arith.constant 1.600000e+01 : f32
      %broadcast_in_dim3A_333 = vector.broadcast %jit3A_331 : f32 to vector<16xf32>
      %broadcast_in_dim3A_334 = vector.broadcast %jit3A_332 : f32 to vector<16xf32>
      %select_n3A_335 = arith.select %eq3A_330, %broadcast_in_dim3A_333, %broadcast_in_dim3A_334 : vector<16xi1>, vector<16xf32>
      %min3A_336 = arith.minimumf %min3A_329, %select_n3A_335 : vector<16xf32>
      %eq3A_337 = arith.cmpf oeq, %get3A_237, %max3A_296 : vector<16xf32>
      %jit3A_338 = arith.constant 6.000000e+00 : f32
      %jit3A_339 = arith.constant 1.600000e+01 : f32
      %broadcast_in_dim3A_340 = vector.broadcast %jit3A_338 : f32 to vector<16xf32>
      %broadcast_in_dim3A_341 = vector.broadcast %jit3A_339 : f32 to vector<16xf32>
      %select_n3A_342 = arith.select %eq3A_337, %broadcast_in_dim3A_340, %broadcast_in_dim3A_341 : vector<16xi1>, vector<16xf32>
      %min3A_343 = arith.minimumf %min3A_336, %select_n3A_342 : vector<16xf32>
      %eq3A_344 = arith.cmpf oeq, %get3A_242, %max3A_296 : vector<16xf32>
      %jit3A_345 = arith.constant 7.000000e+00 : f32
      %jit3A_346 = arith.constant 1.600000e+01 : f32
      %broadcast_in_dim3A_347 = vector.broadcast %jit3A_345 : f32 to vector<16xf32>
      %broadcast_in_dim3A_348 = vector.broadcast %jit3A_346 : f32 to vector<16xf32>
      %select_n3A_349 = arith.select %eq3A_344, %broadcast_in_dim3A_347, %broadcast_in_dim3A_348 : vector<16xi1>, vector<16xf32>
      %min3A_350 = arith.minimumf %min3A_343, %select_n3A_349 : vector<16xf32>
      %eq3A_351 = arith.cmpf oeq, %get3A_247, %max3A_296 : vector<16xf32>
      %jit3A_352 = arith.constant 8.000000e+00 : f32
      %jit3A_353 = arith.constant 1.600000e+01 : f32
      %broadcast_in_dim3A_354 = vector.broadcast %jit3A_352 : f32 to vector<16xf32>
      %broadcast_in_dim3A_355 = vector.broadcast %jit3A_353 : f32 to vector<16xf32>
      %select_n3A_356 = arith.select %eq3A_351, %broadcast_in_dim3A_354, %broadcast_in_dim3A_355 : vector<16xi1>, vector<16xf32>
      %min3A_357 = arith.minimumf %min3A_350, %select_n3A_356 : vector<16xf32>
      %eq3A_358 = arith.cmpf oeq, %get3A_252, %max3A_296 : vector<16xf32>
      %jit3A_359 = arith.constant 9.000000e+00 : f32
      %jit3A_360 = arith.constant 1.600000e+01 : f32
      %broadcast_in_dim3A_361 = vector.broadcast %jit3A_359 : f32 to vector<16xf32>
      %broadcast_in_dim3A_362 = vector.broadcast %jit3A_360 : f32 to vector<16xf32>
      %select_n3A_363 = arith.select %eq3A_358, %broadcast_in_dim3A_361, %broadcast_in_dim3A_362 : vector<16xi1>, vector<16xf32>
      %min3A_364 = arith.minimumf %min3A_357, %select_n3A_363 : vector<16xf32>
      %eq3A_365 = arith.cmpf oeq, %get3A_257, %max3A_296 : vector<16xf32>
      %jit3A_366 = arith.constant 1.000000e+01 : f32
      %jit3A_367 = arith.constant 1.600000e+01 : f32
      %broadcast_in_dim3A_368 = vector.broadcast %jit3A_366 : f32 to vector<16xf32>
      %broadcast_in_dim3A_369 = vector.broadcast %jit3A_367 : f32 to vector<16xf32>
      %select_n3A_370 = arith.select %eq3A_365, %broadcast_in_dim3A_368, %broadcast_in_dim3A_369 : vector<16xi1>, vector<16xf32>
      %min3A_371 = arith.minimumf %min3A_364, %select_n3A_370 : vector<16xf32>
      %eq3A_372 = arith.cmpf oeq, %get3A_262, %max3A_296 : vector<16xf32>
      %jit3A_373 = arith.constant 1.100000e+01 : f32
      %jit3A_374 = arith.constant 1.600000e+01 : f32
      %broadcast_in_dim3A_375 = vector.broadcast %jit3A_373 : f32 to vector<16xf32>
      %broadcast_in_dim3A_376 = vector.broadcast %jit3A_374 : f32 to vector<16xf32>
      %select_n3A_377 = arith.select %eq3A_372, %broadcast_in_dim3A_375, %broadcast_in_dim3A_376 : vector<16xi1>, vector<16xf32>
      %min3A_378 = arith.minimumf %min3A_371, %select_n3A_377 : vector<16xf32>
      %eq3A_379 = arith.cmpf oeq, %get3A_267, %max3A_296 : vector<16xf32>
      %jit3A_380 = arith.constant 1.200000e+01 : f32
      %jit3A_381 = arith.constant 1.600000e+01 : f32
      %broadcast_in_dim3A_382 = vector.broadcast %jit3A_380 : f32 to vector<16xf32>
      %broadcast_in_dim3A_383 = vector.broadcast %jit3A_381 : f32 to vector<16xf32>
      %select_n3A_384 = arith.select %eq3A_379, %broadcast_in_dim3A_382, %broadcast_in_dim3A_383 : vector<16xi1>, vector<16xf32>
      %min3A_385 = arith.minimumf %min3A_378, %select_n3A_384 : vector<16xf32>
      %eq3A_386 = arith.cmpf oeq, %get3A_272, %max3A_296 : vector<16xf32>
      %jit3A_387 = arith.constant 1.300000e+01 : f32
      %jit3A_388 = arith.constant 1.600000e+01 : f32
      %broadcast_in_dim3A_389 = vector.broadcast %jit3A_387 : f32 to vector<16xf32>
      %broadcast_in_dim3A_390 = vector.broadcast %jit3A_388 : f32 to vector<16xf32>
      %select_n3A_391 = arith.select %eq3A_386, %broadcast_in_dim3A_389, %broadcast_in_dim3A_390 : vector<16xi1>, vector<16xf32>
      %min3A_392 = arith.minimumf %min3A_385, %select_n3A_391 : vector<16xf32>
      %eq3A_393 = arith.cmpf oeq, %get3A_277, %max3A_296 : vector<16xf32>
      %jit3A_394 = arith.constant 1.400000e+01 : f32
      %jit3A_395 = arith.constant 1.600000e+01 : f32
      %broadcast_in_dim3A_396 = vector.broadcast %jit3A_394 : f32 to vector<16xf32>
      %broadcast_in_dim3A_397 = vector.broadcast %jit3A_395 : f32 to vector<16xf32>
      %select_n3A_398 = arith.select %eq3A_393, %broadcast_in_dim3A_396, %broadcast_in_dim3A_397 : vector<16xi1>, vector<16xf32>
      %min3A_399 = arith.minimumf %min3A_392, %select_n3A_398 : vector<16xf32>
      %eq3A_400 = arith.cmpf oeq, %get3A_282, %max3A_296 : vector<16xf32>
      %jit3A_401 = arith.constant 1.500000e+01 : f32
      %jit3A_402 = arith.constant 1.600000e+01 : f32
      %broadcast_in_dim3A_403 = vector.broadcast %jit3A_401 : f32 to vector<16xf32>
      %broadcast_in_dim3A_404 = vector.broadcast %jit3A_402 : f32 to vector<16xf32>
      %select_n3A_405 = arith.select %eq3A_400, %broadcast_in_dim3A_403, %broadcast_in_dim3A_404 : vector<16xi1>, vector<16xf32>
      %min3A_406 = arith.minimumf %min3A_399, %select_n3A_405 : vector<16xf32>
      %broadcast_in_dim3A_407 = arith.constant -3.000000e+38 : f32
      %broadcast_in_dim3A_408 = vector.broadcast %broadcast_in_dim3A_407 : f32 to vector<16xf32>
      %eq3A_409 = arith.constant 0.000000e+00 : f32
      %eq3A_410 = vector.broadcast %eq3A_409 : f32 to vector<16xf32>
      %eq3A_411 = arith.cmpf oeq, %min3A_406, %eq3A_410 : vector<16xf32>
      %jit3A_412 = arith.constant -3.000000e+38 : f32
      %broadcast_in_dim3A_413 = vector.broadcast %jit3A_412 : f32 to vector<16xf32>
      %select_n3A_414 = arith.select %eq3A_411, %broadcast_in_dim3A_413, %get3A_207 : vector<16xi1>, vector<16xf32>
      %max3A_415 = arith.maximumf %broadcast_in_dim3A_408, %select_n3A_414 : vector<16xf32>
      %eq3A_416 = arith.constant 1.000000e+00 : f32
      %eq3A_417 = vector.broadcast %eq3A_416 : f32 to vector<16xf32>
      %eq3A_418 = arith.cmpf oeq, %min3A_406, %eq3A_417 : vector<16xf32>
      %jit3A_419 = arith.constant -3.000000e+38 : f32
      %broadcast_in_dim3A_420 = vector.broadcast %jit3A_419 : f32 to vector<16xf32>
      %select_n3A_421 = arith.select %eq3A_418, %broadcast_in_dim3A_420, %get3A_212 : vector<16xi1>, vector<16xf32>
      %max3A_422 = arith.maximumf %max3A_415, %select_n3A_421 : vector<16xf32>
      %eq3A_423 = arith.constant 2.000000e+00 : f32
      %eq3A_424 = vector.broadcast %eq3A_423 : f32 to vector<16xf32>
      %eq3A_425 = arith.cmpf oeq, %min3A_406, %eq3A_424 : vector<16xf32>
      %jit3A_426 = arith.constant -3.000000e+38 : f32
      %broadcast_in_dim3A_427 = vector.broadcast %jit3A_426 : f32 to vector<16xf32>
      %select_n3A_428 = arith.select %eq3A_425, %broadcast_in_dim3A_427, %get3A_217 : vector<16xi1>, vector<16xf32>
      %max3A_429 = arith.maximumf %max3A_422, %select_n3A_428 : vector<16xf32>
      %eq3A_430 = arith.constant 3.000000e+00 : f32
      %eq3A_431 = vector.broadcast %eq3A_430 : f32 to vector<16xf32>
      %eq3A_432 = arith.cmpf oeq, %min3A_406, %eq3A_431 : vector<16xf32>
      %jit3A_433 = arith.constant -3.000000e+38 : f32
      %broadcast_in_dim3A_434 = vector.broadcast %jit3A_433 : f32 to vector<16xf32>
      %select_n3A_435 = arith.select %eq3A_432, %broadcast_in_dim3A_434, %get3A_222 : vector<16xi1>, vector<16xf32>
      %max3A_436 = arith.maximumf %max3A_429, %select_n3A_435 : vector<16xf32>
      %eq3A_437 = arith.constant 4.000000e+00 : f32
      %eq3A_438 = vector.broadcast %eq3A_437 : f32 to vector<16xf32>
      %eq3A_439 = arith.cmpf oeq, %min3A_406, %eq3A_438 : vector<16xf32>
      %jit3A_440 = arith.constant -3.000000e+38 : f32
      %broadcast_in_dim3A_441 = vector.broadcast %jit3A_440 : f32 to vector<16xf32>
      %select_n3A_442 = arith.select %eq3A_439, %broadcast_in_dim3A_441, %get3A_227 : vector<16xi1>, vector<16xf32>
      %max3A_443 = arith.maximumf %max3A_436, %select_n3A_442 : vector<16xf32>
      %eq3A_444 = arith.constant 5.000000e+00 : f32
      %eq3A_445 = vector.broadcast %eq3A_444 : f32 to vector<16xf32>
      %eq3A_446 = arith.cmpf oeq, %min3A_406, %eq3A_445 : vector<16xf32>
      %jit3A_447 = arith.constant -3.000000e+38 : f32
      %broadcast_in_dim3A_448 = vector.broadcast %jit3A_447 : f32 to vector<16xf32>
      %select_n3A_449 = arith.select %eq3A_446, %broadcast_in_dim3A_448, %get3A_232 : vector<16xi1>, vector<16xf32>
      %max3A_450 = arith.maximumf %max3A_443, %select_n3A_449 : vector<16xf32>
      %eq3A_451 = arith.constant 6.000000e+00 : f32
      %eq3A_452 = vector.broadcast %eq3A_451 : f32 to vector<16xf32>
      %eq3A_453 = arith.cmpf oeq, %min3A_406, %eq3A_452 : vector<16xf32>
      %jit3A_454 = arith.constant -3.000000e+38 : f32
      %broadcast_in_dim3A_455 = vector.broadcast %jit3A_454 : f32 to vector<16xf32>
      %select_n3A_456 = arith.select %eq3A_453, %broadcast_in_dim3A_455, %get3A_237 : vector<16xi1>, vector<16xf32>
      %max3A_457 = arith.maximumf %max3A_450, %select_n3A_456 : vector<16xf32>
      %eq3A_458 = arith.constant 7.000000e+00 : f32
      %eq3A_459 = vector.broadcast %eq3A_458 : f32 to vector<16xf32>
      %eq3A_460 = arith.cmpf oeq, %min3A_406, %eq3A_459 : vector<16xf32>
      %jit3A_461 = arith.constant -3.000000e+38 : f32
      %broadcast_in_dim3A_462 = vector.broadcast %jit3A_461 : f32 to vector<16xf32>
      %select_n3A_463 = arith.select %eq3A_460, %broadcast_in_dim3A_462, %get3A_242 : vector<16xi1>, vector<16xf32>
      %max3A_464 = arith.maximumf %max3A_457, %select_n3A_463 : vector<16xf32>
      %eq3A_465 = arith.constant 8.000000e+00 : f32
      %eq3A_466 = vector.broadcast %eq3A_465 : f32 to vector<16xf32>
      %eq3A_467 = arith.cmpf oeq, %min3A_406, %eq3A_466 : vector<16xf32>
      %jit3A_468 = arith.constant -3.000000e+38 : f32
      %broadcast_in_dim3A_469 = vector.broadcast %jit3A_468 : f32 to vector<16xf32>
      %select_n3A_470 = arith.select %eq3A_467, %broadcast_in_dim3A_469, %get3A_247 : vector<16xi1>, vector<16xf32>
      %max3A_471 = arith.maximumf %max3A_464, %select_n3A_470 : vector<16xf32>
      %eq3A_472 = arith.constant 9.000000e+00 : f32
      %eq3A_473 = vector.broadcast %eq3A_472 : f32 to vector<16xf32>
      %eq3A_474 = arith.cmpf oeq, %min3A_406, %eq3A_473 : vector<16xf32>
      %jit3A_475 = arith.constant -3.000000e+38 : f32
      %broadcast_in_dim3A_476 = vector.broadcast %jit3A_475 : f32 to vector<16xf32>
      %select_n3A_477 = arith.select %eq3A_474, %broadcast_in_dim3A_476, %get3A_252 : vector<16xi1>, vector<16xf32>
      %max3A_478 = arith.maximumf %max3A_471, %select_n3A_477 : vector<16xf32>
      %eq3A_479 = arith.constant 1.000000e+01 : f32
      %eq3A_480 = vector.broadcast %eq3A_479 : f32 to vector<16xf32>
      %eq3A_481 = arith.cmpf oeq, %min3A_406, %eq3A_480 : vector<16xf32>
      %jit3A_482 = arith.constant -3.000000e+38 : f32
      %broadcast_in_dim3A_483 = vector.broadcast %jit3A_482 : f32 to vector<16xf32>
      %select_n3A_484 = arith.select %eq3A_481, %broadcast_in_dim3A_483, %get3A_257 : vector<16xi1>, vector<16xf32>
      %max3A_485 = arith.maximumf %max3A_478, %select_n3A_484 : vector<16xf32>
      %eq3A_486 = arith.constant 1.100000e+01 : f32
      %eq3A_487 = vector.broadcast %eq3A_486 : f32 to vector<16xf32>
      %eq3A_488 = arith.cmpf oeq, %min3A_406, %eq3A_487 : vector<16xf32>
      %jit3A_489 = arith.constant -3.000000e+38 : f32
      %broadcast_in_dim3A_490 = vector.broadcast %jit3A_489 : f32 to vector<16xf32>
      %select_n3A_491 = arith.select %eq3A_488, %broadcast_in_dim3A_490, %get3A_262 : vector<16xi1>, vector<16xf32>
      %max3A_492 = arith.maximumf %max3A_485, %select_n3A_491 : vector<16xf32>
      %eq3A_493 = arith.constant 1.200000e+01 : f32
      %eq3A_494 = vector.broadcast %eq3A_493 : f32 to vector<16xf32>
      %eq3A_495 = arith.cmpf oeq, %min3A_406, %eq3A_494 : vector<16xf32>
      %jit3A_496 = arith.constant -3.000000e+38 : f32
      %broadcast_in_dim3A_497 = vector.broadcast %jit3A_496 : f32 to vector<16xf32>
      %select_n3A_498 = arith.select %eq3A_495, %broadcast_in_dim3A_497, %get3A_267 : vector<16xi1>, vector<16xf32>
      %max3A_499 = arith.maximumf %max3A_492, %select_n3A_498 : vector<16xf32>
      %eq3A_500 = arith.constant 1.300000e+01 : f32
      %eq3A_501 = vector.broadcast %eq3A_500 : f32 to vector<16xf32>
      %eq3A_502 = arith.cmpf oeq, %min3A_406, %eq3A_501 : vector<16xf32>
      %jit3A_503 = arith.constant -3.000000e+38 : f32
      %broadcast_in_dim3A_504 = vector.broadcast %jit3A_503 : f32 to vector<16xf32>
      %select_n3A_505 = arith.select %eq3A_502, %broadcast_in_dim3A_504, %get3A_272 : vector<16xi1>, vector<16xf32>
      %max3A_506 = arith.maximumf %max3A_499, %select_n3A_505 : vector<16xf32>
      %eq3A_507 = arith.constant 1.400000e+01 : f32
      %eq3A_508 = vector.broadcast %eq3A_507 : f32 to vector<16xf32>
      %eq3A_509 = arith.cmpf oeq, %min3A_406, %eq3A_508 : vector<16xf32>
      %jit3A_510 = arith.constant -3.000000e+38 : f32
      %broadcast_in_dim3A_511 = vector.broadcast %jit3A_510 : f32 to vector<16xf32>
      %select_n3A_512 = arith.select %eq3A_509, %broadcast_in_dim3A_511, %get3A_277 : vector<16xi1>, vector<16xf32>
      %max3A_513 = arith.maximumf %max3A_506, %select_n3A_512 : vector<16xf32>
      %eq3A_514 = arith.constant 1.500000e+01 : f32
      %eq3A_515 = vector.broadcast %eq3A_514 : f32 to vector<16xf32>
      %eq3A_516 = arith.cmpf oeq, %min3A_406, %eq3A_515 : vector<16xf32>
      %jit3A_517 = arith.constant -3.000000e+38 : f32
      %broadcast_in_dim3A_518 = vector.broadcast %jit3A_517 : f32 to vector<16xf32>
      %select_n3A_519 = arith.select %eq3A_516, %broadcast_in_dim3A_518, %get3A_282 : vector<16xi1>, vector<16xf32>
      %max3A_520 = arith.maximumf %max3A_513, %select_n3A_519 : vector<16xf32>
      %broadcast_in_dim3A_521 = arith.constant 1.600000e+01 : f32
      %broadcast_in_dim3A_522 = vector.broadcast %broadcast_in_dim3A_521 : f32 to vector<16xf32>
      %eq3A_523 = arith.constant 0.000000e+00 : f32
      %eq3A_524 = vector.broadcast %eq3A_523 : f32 to vector<16xf32>
      %eq3A_525 = arith.cmpf oeq, %min3A_406, %eq3A_524 : vector<16xf32>
      %jit3A_526 = arith.constant -3.000000e+38 : f32
      %broadcast_in_dim3A_527 = vector.broadcast %jit3A_526 : f32 to vector<16xf32>
      %select_n3A_528 = arith.select %eq3A_525, %broadcast_in_dim3A_527, %get3A_207 : vector<16xi1>, vector<16xf32>
      %eq3A_529 = arith.cmpf oeq, %select_n3A_528, %max3A_520 : vector<16xf32>
      %jit3A_530 = arith.constant 0.000000e+00 : f32
      %jit3A_531 = arith.constant 1.600000e+01 : f32
      %broadcast_in_dim3A_532 = vector.broadcast %jit3A_530 : f32 to vector<16xf32>
      %broadcast_in_dim3A_533 = vector.broadcast %jit3A_531 : f32 to vector<16xf32>
      %select_n3A_534 = arith.select %eq3A_529, %broadcast_in_dim3A_532, %broadcast_in_dim3A_533 : vector<16xi1>, vector<16xf32>
      %min3A_535 = arith.minimumf %broadcast_in_dim3A_522, %select_n3A_534 : vector<16xf32>
      %eq3A_536 = arith.constant 1.000000e+00 : f32
      %eq3A_537 = vector.broadcast %eq3A_536 : f32 to vector<16xf32>
      %eq3A_538 = arith.cmpf oeq, %min3A_406, %eq3A_537 : vector<16xf32>
      %jit3A_539 = arith.constant -3.000000e+38 : f32
      %broadcast_in_dim3A_540 = vector.broadcast %jit3A_539 : f32 to vector<16xf32>
      %select_n3A_541 = arith.select %eq3A_538, %broadcast_in_dim3A_540, %get3A_212 : vector<16xi1>, vector<16xf32>
      %eq3A_542 = arith.cmpf oeq, %select_n3A_541, %max3A_520 : vector<16xf32>
      %jit3A_543 = arith.constant 1.000000e+00 : f32
      %jit3A_544 = arith.constant 1.600000e+01 : f32
      %broadcast_in_dim3A_545 = vector.broadcast %jit3A_543 : f32 to vector<16xf32>
      %broadcast_in_dim3A_546 = vector.broadcast %jit3A_544 : f32 to vector<16xf32>
      %select_n3A_547 = arith.select %eq3A_542, %broadcast_in_dim3A_545, %broadcast_in_dim3A_546 : vector<16xi1>, vector<16xf32>
      %min3A_548 = arith.minimumf %min3A_535, %select_n3A_547 : vector<16xf32>
      %eq3A_549 = arith.constant 2.000000e+00 : f32
      %eq3A_550 = vector.broadcast %eq3A_549 : f32 to vector<16xf32>
      %eq3A_551 = arith.cmpf oeq, %min3A_406, %eq3A_550 : vector<16xf32>
      %jit3A_552 = arith.constant -3.000000e+38 : f32
      %broadcast_in_dim3A_553 = vector.broadcast %jit3A_552 : f32 to vector<16xf32>
      %select_n3A_554 = arith.select %eq3A_551, %broadcast_in_dim3A_553, %get3A_217 : vector<16xi1>, vector<16xf32>
      %eq3A_555 = arith.cmpf oeq, %select_n3A_554, %max3A_520 : vector<16xf32>
      %jit3A_556 = arith.constant 2.000000e+00 : f32
      %jit3A_557 = arith.constant 1.600000e+01 : f32
      %broadcast_in_dim3A_558 = vector.broadcast %jit3A_556 : f32 to vector<16xf32>
      %broadcast_in_dim3A_559 = vector.broadcast %jit3A_557 : f32 to vector<16xf32>
      %select_n3A_560 = arith.select %eq3A_555, %broadcast_in_dim3A_558, %broadcast_in_dim3A_559 : vector<16xi1>, vector<16xf32>
      %min3A_561 = arith.minimumf %min3A_548, %select_n3A_560 : vector<16xf32>
      %eq3A_562 = arith.constant 3.000000e+00 : f32
      %eq3A_563 = vector.broadcast %eq3A_562 : f32 to vector<16xf32>
      %eq3A_564 = arith.cmpf oeq, %min3A_406, %eq3A_563 : vector<16xf32>
      %jit3A_565 = arith.constant -3.000000e+38 : f32
      %broadcast_in_dim3A_566 = vector.broadcast %jit3A_565 : f32 to vector<16xf32>
      %select_n3A_567 = arith.select %eq3A_564, %broadcast_in_dim3A_566, %get3A_222 : vector<16xi1>, vector<16xf32>
      %eq3A_568 = arith.cmpf oeq, %select_n3A_567, %max3A_520 : vector<16xf32>
      %jit3A_569 = arith.constant 3.000000e+00 : f32
      %jit3A_570 = arith.constant 1.600000e+01 : f32
      %broadcast_in_dim3A_571 = vector.broadcast %jit3A_569 : f32 to vector<16xf32>
      %broadcast_in_dim3A_572 = vector.broadcast %jit3A_570 : f32 to vector<16xf32>
      %select_n3A_573 = arith.select %eq3A_568, %broadcast_in_dim3A_571, %broadcast_in_dim3A_572 : vector<16xi1>, vector<16xf32>
      %min3A_574 = arith.minimumf %min3A_561, %select_n3A_573 : vector<16xf32>
      %eq3A_575 = arith.constant 4.000000e+00 : f32
      %eq3A_576 = vector.broadcast %eq3A_575 : f32 to vector<16xf32>
      %eq3A_577 = arith.cmpf oeq, %min3A_406, %eq3A_576 : vector<16xf32>
      %jit3A_578 = arith.constant -3.000000e+38 : f32
      %broadcast_in_dim3A_579 = vector.broadcast %jit3A_578 : f32 to vector<16xf32>
      %select_n3A_580 = arith.select %eq3A_577, %broadcast_in_dim3A_579, %get3A_227 : vector<16xi1>, vector<16xf32>
      %eq3A_581 = arith.cmpf oeq, %select_n3A_580, %max3A_520 : vector<16xf32>
      %jit3A_582 = arith.constant 4.000000e+00 : f32
      %jit3A_583 = arith.constant 1.600000e+01 : f32
      %broadcast_in_dim3A_584 = vector.broadcast %jit3A_582 : f32 to vector<16xf32>
      %broadcast_in_dim3A_585 = vector.broadcast %jit3A_583 : f32 to vector<16xf32>
      %select_n3A_586 = arith.select %eq3A_581, %broadcast_in_dim3A_584, %broadcast_in_dim3A_585 : vector<16xi1>, vector<16xf32>
      %min3A_587 = arith.minimumf %min3A_574, %select_n3A_586 : vector<16xf32>
      %eq3A_588 = arith.constant 5.000000e+00 : f32
      %eq3A_589 = vector.broadcast %eq3A_588 : f32 to vector<16xf32>
      %eq3A_590 = arith.cmpf oeq, %min3A_406, %eq3A_589 : vector<16xf32>
      %jit3A_591 = arith.constant -3.000000e+38 : f32
      %broadcast_in_dim3A_592 = vector.broadcast %jit3A_591 : f32 to vector<16xf32>
      %select_n3A_593 = arith.select %eq3A_590, %broadcast_in_dim3A_592, %get3A_232 : vector<16xi1>, vector<16xf32>
      %eq3A_594 = arith.cmpf oeq, %select_n3A_593, %max3A_520 : vector<16xf32>
      %jit3A_595 = arith.constant 5.000000e+00 : f32
      %jit3A_596 = arith.constant 1.600000e+01 : f32
      %broadcast_in_dim3A_597 = vector.broadcast %jit3A_595 : f32 to vector<16xf32>
      %broadcast_in_dim3A_598 = vector.broadcast %jit3A_596 : f32 to vector<16xf32>
      %select_n3A_599 = arith.select %eq3A_594, %broadcast_in_dim3A_597, %broadcast_in_dim3A_598 : vector<16xi1>, vector<16xf32>
      %min3A_600 = arith.minimumf %min3A_587, %select_n3A_599 : vector<16xf32>
      %eq3A_601 = arith.constant 6.000000e+00 : f32
      %eq3A_602 = vector.broadcast %eq3A_601 : f32 to vector<16xf32>
      %eq3A_603 = arith.cmpf oeq, %min3A_406, %eq3A_602 : vector<16xf32>
      %jit3A_604 = arith.constant -3.000000e+38 : f32
      %broadcast_in_dim3A_605 = vector.broadcast %jit3A_604 : f32 to vector<16xf32>
      %select_n3A_606 = arith.select %eq3A_603, %broadcast_in_dim3A_605, %get3A_237 : vector<16xi1>, vector<16xf32>
      %eq3A_607 = arith.cmpf oeq, %select_n3A_606, %max3A_520 : vector<16xf32>
      %jit3A_608 = arith.constant 6.000000e+00 : f32
      %jit3A_609 = arith.constant 1.600000e+01 : f32
      %broadcast_in_dim3A_610 = vector.broadcast %jit3A_608 : f32 to vector<16xf32>
      %broadcast_in_dim3A_611 = vector.broadcast %jit3A_609 : f32 to vector<16xf32>
      %select_n3A_612 = arith.select %eq3A_607, %broadcast_in_dim3A_610, %broadcast_in_dim3A_611 : vector<16xi1>, vector<16xf32>
      %min3A_613 = arith.minimumf %min3A_600, %select_n3A_612 : vector<16xf32>
      %eq3A_614 = arith.constant 7.000000e+00 : f32
      %eq3A_615 = vector.broadcast %eq3A_614 : f32 to vector<16xf32>
      %eq3A_616 = arith.cmpf oeq, %min3A_406, %eq3A_615 : vector<16xf32>
      %jit3A_617 = arith.constant -3.000000e+38 : f32
      %broadcast_in_dim3A_618 = vector.broadcast %jit3A_617 : f32 to vector<16xf32>
      %select_n3A_619 = arith.select %eq3A_616, %broadcast_in_dim3A_618, %get3A_242 : vector<16xi1>, vector<16xf32>
      %eq3A_620 = arith.cmpf oeq, %select_n3A_619, %max3A_520 : vector<16xf32>
      %jit3A_621 = arith.constant 7.000000e+00 : f32
      %jit3A_622 = arith.constant 1.600000e+01 : f32
      %broadcast_in_dim3A_623 = vector.broadcast %jit3A_621 : f32 to vector<16xf32>
      %broadcast_in_dim3A_624 = vector.broadcast %jit3A_622 : f32 to vector<16xf32>
      %select_n3A_625 = arith.select %eq3A_620, %broadcast_in_dim3A_623, %broadcast_in_dim3A_624 : vector<16xi1>, vector<16xf32>
      %min3A_626 = arith.minimumf %min3A_613, %select_n3A_625 : vector<16xf32>
      %eq3A_627 = arith.constant 8.000000e+00 : f32
      %eq3A_628 = vector.broadcast %eq3A_627 : f32 to vector<16xf32>
      %eq3A_629 = arith.cmpf oeq, %min3A_406, %eq3A_628 : vector<16xf32>
      %jit3A_630 = arith.constant -3.000000e+38 : f32
      %broadcast_in_dim3A_631 = vector.broadcast %jit3A_630 : f32 to vector<16xf32>
      %select_n3A_632 = arith.select %eq3A_629, %broadcast_in_dim3A_631, %get3A_247 : vector<16xi1>, vector<16xf32>
      %eq3A_633 = arith.cmpf oeq, %select_n3A_632, %max3A_520 : vector<16xf32>
      %jit3A_634 = arith.constant 8.000000e+00 : f32
      %jit3A_635 = arith.constant 1.600000e+01 : f32
      %broadcast_in_dim3A_636 = vector.broadcast %jit3A_634 : f32 to vector<16xf32>
      %broadcast_in_dim3A_637 = vector.broadcast %jit3A_635 : f32 to vector<16xf32>
      %select_n3A_638 = arith.select %eq3A_633, %broadcast_in_dim3A_636, %broadcast_in_dim3A_637 : vector<16xi1>, vector<16xf32>
      %min3A_639 = arith.minimumf %min3A_626, %select_n3A_638 : vector<16xf32>
      %eq3A_640 = arith.constant 9.000000e+00 : f32
      %eq3A_641 = vector.broadcast %eq3A_640 : f32 to vector<16xf32>
      %eq3A_642 = arith.cmpf oeq, %min3A_406, %eq3A_641 : vector<16xf32>
      %jit3A_643 = arith.constant -3.000000e+38 : f32
      %broadcast_in_dim3A_644 = vector.broadcast %jit3A_643 : f32 to vector<16xf32>
      %select_n3A_645 = arith.select %eq3A_642, %broadcast_in_dim3A_644, %get3A_252 : vector<16xi1>, vector<16xf32>
      %eq3A_646 = arith.cmpf oeq, %select_n3A_645, %max3A_520 : vector<16xf32>
      %jit3A_647 = arith.constant 9.000000e+00 : f32
      %jit3A_648 = arith.constant 1.600000e+01 : f32
      %broadcast_in_dim3A_649 = vector.broadcast %jit3A_647 : f32 to vector<16xf32>
      %broadcast_in_dim3A_650 = vector.broadcast %jit3A_648 : f32 to vector<16xf32>
      %select_n3A_651 = arith.select %eq3A_646, %broadcast_in_dim3A_649, %broadcast_in_dim3A_650 : vector<16xi1>, vector<16xf32>
      %min3A_652 = arith.minimumf %min3A_639, %select_n3A_651 : vector<16xf32>
      %eq3A_653 = arith.constant 1.000000e+01 : f32
      %eq3A_654 = vector.broadcast %eq3A_653 : f32 to vector<16xf32>
      %eq3A_655 = arith.cmpf oeq, %min3A_406, %eq3A_654 : vector<16xf32>
      %jit3A_656 = arith.constant -3.000000e+38 : f32
      %broadcast_in_dim3A_657 = vector.broadcast %jit3A_656 : f32 to vector<16xf32>
      %select_n3A_658 = arith.select %eq3A_655, %broadcast_in_dim3A_657, %get3A_257 : vector<16xi1>, vector<16xf32>
      %eq3A_659 = arith.cmpf oeq, %select_n3A_658, %max3A_520 : vector<16xf32>
      %jit3A_660 = arith.constant 1.000000e+01 : f32
      %jit3A_661 = arith.constant 1.600000e+01 : f32
      %broadcast_in_dim3A_662 = vector.broadcast %jit3A_660 : f32 to vector<16xf32>
      %broadcast_in_dim3A_663 = vector.broadcast %jit3A_661 : f32 to vector<16xf32>
      %select_n3A_664 = arith.select %eq3A_659, %broadcast_in_dim3A_662, %broadcast_in_dim3A_663 : vector<16xi1>, vector<16xf32>
      %min3A_665 = arith.minimumf %min3A_652, %select_n3A_664 : vector<16xf32>
      %eq3A_666 = arith.constant 1.100000e+01 : f32
      %eq3A_667 = vector.broadcast %eq3A_666 : f32 to vector<16xf32>
      %eq3A_668 = arith.cmpf oeq, %min3A_406, %eq3A_667 : vector<16xf32>
      %jit3A_669 = arith.constant -3.000000e+38 : f32
      %broadcast_in_dim3A_670 = vector.broadcast %jit3A_669 : f32 to vector<16xf32>
      %select_n3A_671 = arith.select %eq3A_668, %broadcast_in_dim3A_670, %get3A_262 : vector<16xi1>, vector<16xf32>
      %eq3A_672 = arith.cmpf oeq, %select_n3A_671, %max3A_520 : vector<16xf32>
      %jit3A_673 = arith.constant 1.100000e+01 : f32
      %jit3A_674 = arith.constant 1.600000e+01 : f32
      %broadcast_in_dim3A_675 = vector.broadcast %jit3A_673 : f32 to vector<16xf32>
      %broadcast_in_dim3A_676 = vector.broadcast %jit3A_674 : f32 to vector<16xf32>
      %select_n3A_677 = arith.select %eq3A_672, %broadcast_in_dim3A_675, %broadcast_in_dim3A_676 : vector<16xi1>, vector<16xf32>
      %min3A_678 = arith.minimumf %min3A_665, %select_n3A_677 : vector<16xf32>
      %eq3A_679 = arith.constant 1.200000e+01 : f32
      %eq3A_680 = vector.broadcast %eq3A_679 : f32 to vector<16xf32>
      %eq3A_681 = arith.cmpf oeq, %min3A_406, %eq3A_680 : vector<16xf32>
      %jit3A_682 = arith.constant -3.000000e+38 : f32
      %broadcast_in_dim3A_683 = vector.broadcast %jit3A_682 : f32 to vector<16xf32>
      %select_n3A_684 = arith.select %eq3A_681, %broadcast_in_dim3A_683, %get3A_267 : vector<16xi1>, vector<16xf32>
      %eq3A_685 = arith.cmpf oeq, %select_n3A_684, %max3A_520 : vector<16xf32>
      %jit3A_686 = arith.constant 1.200000e+01 : f32
      %jit3A_687 = arith.constant 1.600000e+01 : f32
      %broadcast_in_dim3A_688 = vector.broadcast %jit3A_686 : f32 to vector<16xf32>
      %broadcast_in_dim3A_689 = vector.broadcast %jit3A_687 : f32 to vector<16xf32>
      %select_n3A_690 = arith.select %eq3A_685, %broadcast_in_dim3A_688, %broadcast_in_dim3A_689 : vector<16xi1>, vector<16xf32>
      %min3A_691 = arith.minimumf %min3A_678, %select_n3A_690 : vector<16xf32>
      %eq3A_692 = arith.constant 1.300000e+01 : f32
      %eq3A_693 = vector.broadcast %eq3A_692 : f32 to vector<16xf32>
      %eq3A_694 = arith.cmpf oeq, %min3A_406, %eq3A_693 : vector<16xf32>
      %jit3A_695 = arith.constant -3.000000e+38 : f32
      %broadcast_in_dim3A_696 = vector.broadcast %jit3A_695 : f32 to vector<16xf32>
      %select_n3A_697 = arith.select %eq3A_694, %broadcast_in_dim3A_696, %get3A_272 : vector<16xi1>, vector<16xf32>
      %eq3A_698 = arith.cmpf oeq, %select_n3A_697, %max3A_520 : vector<16xf32>
      %jit3A_699 = arith.constant 1.300000e+01 : f32
      %jit3A_700 = arith.constant 1.600000e+01 : f32
      %broadcast_in_dim3A_701 = vector.broadcast %jit3A_699 : f32 to vector<16xf32>
      %broadcast_in_dim3A_702 = vector.broadcast %jit3A_700 : f32 to vector<16xf32>
      %select_n3A_703 = arith.select %eq3A_698, %broadcast_in_dim3A_701, %broadcast_in_dim3A_702 : vector<16xi1>, vector<16xf32>
      %min3A_704 = arith.minimumf %min3A_691, %select_n3A_703 : vector<16xf32>
      %eq3A_705 = arith.constant 1.400000e+01 : f32
      %eq3A_706 = vector.broadcast %eq3A_705 : f32 to vector<16xf32>
      %eq3A_707 = arith.cmpf oeq, %min3A_406, %eq3A_706 : vector<16xf32>
      %jit3A_708 = arith.constant -3.000000e+38 : f32
      %broadcast_in_dim3A_709 = vector.broadcast %jit3A_708 : f32 to vector<16xf32>
      %select_n3A_710 = arith.select %eq3A_707, %broadcast_in_dim3A_709, %get3A_277 : vector<16xi1>, vector<16xf32>
      %eq3A_711 = arith.cmpf oeq, %select_n3A_710, %max3A_520 : vector<16xf32>
      %jit3A_712 = arith.constant 1.400000e+01 : f32
      %jit3A_713 = arith.constant 1.600000e+01 : f32
      %broadcast_in_dim3A_714 = vector.broadcast %jit3A_712 : f32 to vector<16xf32>
      %broadcast_in_dim3A_715 = vector.broadcast %jit3A_713 : f32 to vector<16xf32>
      %select_n3A_716 = arith.select %eq3A_711, %broadcast_in_dim3A_714, %broadcast_in_dim3A_715 : vector<16xi1>, vector<16xf32>
      %min3A_717 = arith.minimumf %min3A_704, %select_n3A_716 : vector<16xf32>
      %eq3A_718 = arith.constant 1.500000e+01 : f32
      %eq3A_719 = vector.broadcast %eq3A_718 : f32 to vector<16xf32>
      %eq3A_720 = arith.cmpf oeq, %min3A_406, %eq3A_719 : vector<16xf32>
      %jit3A_721 = arith.constant -3.000000e+38 : f32
      %broadcast_in_dim3A_722 = vector.broadcast %jit3A_721 : f32 to vector<16xf32>
      %select_n3A_723 = arith.select %eq3A_720, %broadcast_in_dim3A_722, %get3A_282 : vector<16xi1>, vector<16xf32>
      %eq3A_724 = arith.cmpf oeq, %select_n3A_723, %max3A_520 : vector<16xf32>
      %jit3A_725 = arith.constant 1.500000e+01 : f32
      %jit3A_726 = arith.constant 1.600000e+01 : f32
      %broadcast_in_dim3A_727 = vector.broadcast %jit3A_725 : f32 to vector<16xf32>
      %broadcast_in_dim3A_728 = vector.broadcast %jit3A_726 : f32 to vector<16xf32>
      %select_n3A_729 = arith.select %eq3A_724, %broadcast_in_dim3A_727, %broadcast_in_dim3A_728 : vector<16xi1>, vector<16xf32>
      %min3A_730 = arith.minimumf %min3A_717, %select_n3A_729 : vector<16xf32>
      %sub3A = arith.subf %max3A_520, %max3A_296 : vector<16xf32>
      %exp3A = math.exp %sub3A : vector<16xf32>
      %add3A_731 = arith.constant 1.000000e+00 : f32
      %add3A_732 = vector.broadcast %add3A_731 : f32 to vector<16xf32>
      %add3A_733 = arith.addf %add3A_732, %exp3A : vector<16xf32>
      %div3A = arith.constant 1.000000e+00 : f32
      %div3A_734 = vector.broadcast %div3A : f32 to vector<16xf32>
      %div3A_735 = arith.divf %div3A_734, %add3A_733 : vector<16xf32>
      %swap3A_736 = arith.constant 0 : i32
      %swap3A_737 = arith.index_cast %swap3A_736 : i32 to index
      %swap3A_738 = arith.index_cast %mul3A_203 : i32 to index
      %swap3A_739 = tpu.vector_load %arg7[%swap3A_737, %swap3A_738] {strides = array<i32>} : memref<2x512xf32, #tpu.memory_space<vmem>>, vector<1x16xf32>,
      %swap3A_740 = vector.shape_cast %swap3A_739 : vector<1x16xf32> to vector<16xf32>
      %swap3A_741 = vector.shape_cast %div3A_735 : vector<16xf32> to vector<1x16xf32>
      tpu.vector_store %arg7[%swap3A_737, %swap3A_738], %swap3A_741 {strides = array<i32>} : memref<2x512xf32, #tpu.memory_space<vmem>>, vector<1x16xf32>,
      %mul3A_742 = arith.mulf %exp3A, %div3A_735 : vector<16xf32>
      %swap3A_743 = arith.constant 1 : i32
      %swap3A_744 = arith.index_cast %swap3A_743 : i32 to index
      %swap3A_745 = arith.index_cast %mul3A_203 : i32 to index
      %swap3A_746 = tpu.vector_load %arg7[%swap3A_744, %swap3A_745] {strides = array<i32>} : memref<2x512xf32, #tpu.memory_space<vmem>>, vector<1x16xf32>,
      %swap3A_747 = vector.shape_cast %swap3A_746 : vector<1x16xf32> to vector<16xf32>
      %swap3A_748 = vector.shape_cast %mul3A_742 : vector<16xf32> to vector<1x16xf32>
      tpu.vector_store %arg7[%swap3A_744, %swap3A_745], %swap3A_748 {strides = array<i32>} : memref<2x512xf32, #tpu.memory_space<vmem>>, vector<1x16xf32>,
      %convert_element_type3A = arith.fptosi %min3A_406 : vector<16xf32> to vector<16xi32>
      %swap3A_749 = arith.constant 0 : i32
      %swap3A_750 = arith.index_cast %swap3A_749 : i32 to index
      %swap3A_751 = arith.index_cast %mul3A_203 : i32 to index
      %swap3A_752 = tpu.vector_load %arg8[%swap3A_750, %swap3A_751] {strides = array<i32>} : memref<2x512xi32, #tpu.memory_space<vmem>>, vector<1x16xi32>,
      %swap3A_753 = vector.shape_cast %swap3A_752 : vector<1x16xi32> to vector<16xi32>
      %swap3A_754 = vector.shape_cast %convert_element_type3A : vector<16xi32> to vector<1x16xi32>
      tpu.vector_store %arg8[%swap3A_750, %swap3A_751], %swap3A_754 {strides = array<i32>} : memref<2x512xi32, #tpu.memory_space<vmem>>, vector<1x16xi32>,
      %convert_element_type3A_755 = arith.fptosi %min3A_730 : vector<16xf32> to vector<16xi32>
      %swap3A_756 = arith.constant 1 : i32
      %swap3A_757 = arith.index_cast %swap3A_756 : i32 to index
      %swap3A_758 = arith.index_cast %mul3A_203 : i32 to index
      %swap3A_759 = tpu.vector_load %arg8[%swap3A_757, %swap3A_758] {strides = array<i32>} : memref<2x512xi32, #tpu.memory_space<vmem>>, vector<1x16xi32>,
      %swap3A_760 = vector.shape_cast %swap3A_759 : vector<1x16xi32> to vector<16xi32>
      %swap3A_761 = vector.shape_cast %convert_element_type3A_755 : vector<16xi32> to vector<1x16xi32>
      tpu.vector_store %arg8[%swap3A_757, %swap3A_758], %swap3A_761 {strides = array<i32>} : memref<2x512xi32, #tpu.memory_space<vmem>>, vector<1x16xi32>,
      %sub3A_762 = arith.subf %get3A_207, %max3A_296 : vector<16xf32>
      %exp3A_763 = math.exp %sub3A_762 : vector<16xf32>
      %sub3A_764 = arith.subf %get3A_212, %max3A_296 : vector<16xf32>
      %exp3A_765 = math.exp %sub3A_764 : vector<16xf32>
      %sub3A_766 = arith.subf %get3A_217, %max3A_296 : vector<16xf32>
      %exp3A_767 = math.exp %sub3A_766 : vector<16xf32>
      %sub3A_768 = arith.subf %get3A_222, %max3A_296 : vector<16xf32>
      %exp3A_769 = math.exp %sub3A_768 : vector<16xf32>
      %sub3A_770 = arith.subf %get3A_227, %max3A_296 : vector<16xf32>
      %exp3A_771 = math.exp %sub3A_770 : vector<16xf32>
      %sub3A_772 = arith.subf %get3A_232, %max3A_296 : vector<16xf32>
      %exp3A_773 = math.exp %sub3A_772 : vector<16xf32>
      %sub3A_774 = arith.subf %get3A_237, %max3A_296 : vector<16xf32>
      %exp3A_775 = math.exp %sub3A_774 : vector<16xf32>
      %sub3A_776 = arith.subf %get3A_242, %max3A_296 : vector<16xf32>
      %exp3A_777 = math.exp %sub3A_776 : vector<16xf32>
      %sub3A_778 = arith.subf %get3A_247, %max3A_296 : vector<16xf32>
      %exp3A_779 = math.exp %sub3A_778 : vector<16xf32>
      %sub3A_780 = arith.subf %get3A_252, %max3A_296 : vector<16xf32>
      %exp3A_781 = math.exp %sub3A_780 : vector<16xf32>
      %sub3A_782 = arith.subf %get3A_257, %max3A_296 : vector<16xf32>
      %exp3A_783 = math.exp %sub3A_782 : vector<16xf32>
      %sub3A_784 = arith.subf %get3A_262, %max3A_296 : vector<16xf32>
      %exp3A_785 = math.exp %sub3A_784 : vector<16xf32>
      %sub3A_786 = arith.subf %get3A_267, %max3A_296 : vector<16xf32>
      %exp3A_787 = math.exp %sub3A_786 : vector<16xf32>
      %sub3A_788 = arith.subf %get3A_272, %max3A_296 : vector<16xf32>
      %exp3A_789 = math.exp %sub3A_788 : vector<16xf32>
      %sub3A_790 = arith.subf %get3A_277, %max3A_296 : vector<16xf32>
      %exp3A_791 = math.exp %sub3A_790 : vector<16xf32>
      %sub3A_792 = arith.subf %get3A_282, %max3A_296 : vector<16xf32>
      %exp3A_793 = math.exp %sub3A_792 : vector<16xf32>
      %add3A_794 = arith.addf %exp3A_763, %exp3A_765 : vector<16xf32>
      %add3A_795 = arith.addf %add3A_794, %exp3A_767 : vector<16xf32>
      %add3A_796 = arith.addf %add3A_795, %exp3A_769 : vector<16xf32>
      %add3A_797 = arith.addf %add3A_796, %exp3A_771 : vector<16xf32>
      %add3A_798 = arith.addf %add3A_797, %exp3A_773 : vector<16xf32>
      %add3A_799 = arith.addf %add3A_798, %exp3A_775 : vector<16xf32>
      %add3A_800 = arith.addf %add3A_799, %exp3A_777 : vector<16xf32>
      %add3A_801 = arith.addf %add3A_800, %exp3A_779 : vector<16xf32>
      %add3A_802 = arith.addf %add3A_801, %exp3A_781 : vector<16xf32>
      %add3A_803 = arith.addf %add3A_802, %exp3A_783 : vector<16xf32>
      %add3A_804 = arith.addf %add3A_803, %exp3A_785 : vector<16xf32>
      %add3A_805 = arith.addf %add3A_804, %exp3A_787 : vector<16xf32>
      %add3A_806 = arith.addf %add3A_805, %exp3A_789 : vector<16xf32>
      %add3A_807 = arith.addf %add3A_806, %exp3A_791 : vector<16xf32>
      %add3A_808 = arith.addf %add3A_807, %exp3A_793 : vector<16xf32>
      %div3A_809 = arith.constant 1.000000e+00 : f32
      %div3A_810 = vector.broadcast %div3A_809 : f32 to vector<16xf32>
      %div3A_811 = arith.divf %div3A_810, %add3A_808 : vector<16xf32>
      %mul3A_812 = arith.mulf %exp3A_763, %div3A_811 : vector<16xf32>
      %swap3A_813 = arith.constant 0 : i32
      %swap3A_814 = arith.index_cast %swap3A_813 : i32 to index
      %swap3A_815 = arith.constant 0 : index
      %swap3A_816 = tpu.vector_load %arg9[%swap3A_814, %swap3A_815] {strides = array<i32>} : memref<16x16xf32, #tpu.memory_space<vmem>>, vector<1x16xf32>,
      %swap3A_817 = vector.shape_cast %swap3A_816 : vector<1x16xf32> to vector<16xf32>
      %swap3A_818 = vector.shape_cast %mul3A_812 : vector<16xf32> to vector<1x16xf32>
      tpu.vector_store %arg9[%swap3A_814, %swap3A_815], %swap3A_818 {add = true, strides = array<i32>} : memref<16x16xf32, #tpu.memory_space<vmem>>, vector<1x16xf32>,
      %eq3A_819 = arith.constant 0.000000e+00 : f32
      %eq3A_820 = vector.broadcast %eq3A_819 : f32 to vector<16xf32>
      %eq3A_821 = arith.cmpf oeq, %min3A_406, %eq3A_820 : vector<16xf32>
      %jit3A_822 = arith.constant 1.000000e+00 : f32
      %jit3A_823 = arith.constant 0.000000e+00 : f32
      %broadcast_in_dim3A_824 = vector.broadcast %jit3A_822 : f32 to vector<16xf32>
      %broadcast_in_dim3A_825 = vector.broadcast %jit3A_823 : f32 to vector<16xf32>
      %select_n3A_826 = arith.select %eq3A_821, %broadcast_in_dim3A_824, %broadcast_in_dim3A_825 : vector<16xi1>, vector<16xf32>
      %swap3A_827 = arith.constant 0 : i32
      %swap3A_828 = arith.index_cast %swap3A_827 : i32 to index
      %swap3A_829 = arith.constant 0 : index
      %swap3A_830 = tpu.vector_load %arg10[%swap3A_828, %swap3A_829] {strides = array<i32>} : memref<16x16xf32, #tpu.memory_space<vmem>>, vector<1x16xf32>,
      %swap3A_831 = vector.shape_cast %swap3A_830 : vector<1x16xf32> to vector<16xf32>
      %swap3A_832 = vector.shape_cast %select_n3A_826 : vector<16xf32> to vector<1x16xf32>
      tpu.vector_store %arg10[%swap3A_828, %swap3A_829], %swap3A_832 {add = true, strides = array<i32>} : memref<16x16xf32, #tpu.memory_space<vmem>>, vector<1x16xf32>,
      %mul3A_833 = arith.mulf %exp3A_765, %div3A_811 : vector<16xf32>
      %swap3A_834 = arith.constant 1 : i32
      %swap3A_835 = arith.index_cast %swap3A_834 : i32 to index
      %swap3A_836 = arith.constant 0 : index
      %swap3A_837 = tpu.vector_load %arg9[%swap3A_835, %swap3A_836] {strides = array<i32>} : memref<16x16xf32, #tpu.memory_space<vmem>>, vector<1x16xf32>,
      %swap3A_838 = vector.shape_cast %swap3A_837 : vector<1x16xf32> to vector<16xf32>
      %swap3A_839 = vector.shape_cast %mul3A_833 : vector<16xf32> to vector<1x16xf32>
      tpu.vector_store %arg9[%swap3A_835, %swap3A_836], %swap3A_839 {add = true, strides = array<i32>} : memref<16x16xf32, #tpu.memory_space<vmem>>, vector<1x16xf32>,
      %eq3A_840 = arith.constant 1.000000e+00 : f32
      %eq3A_841 = vector.broadcast %eq3A_840 : f32 to vector<16xf32>
      %eq3A_842 = arith.cmpf oeq, %min3A_406, %eq3A_841 : vector<16xf32>
      %jit3A_843 = arith.constant 1.000000e+00 : f32
      %jit3A_844 = arith.constant 0.000000e+00 : f32
      %broadcast_in_dim3A_845 = vector.broadcast %jit3A_843 : f32 to vector<16xf32>
      %broadcast_in_dim3A_846 = vector.broadcast %jit3A_844 : f32 to vector<16xf32>
      %select_n3A_847 = arith.select %eq3A_842, %broadcast_in_dim3A_845, %broadcast_in_dim3A_846 : vector<16xi1>, vector<16xf32>
      %swap3A_848 = arith.constant 1 : i32
      %swap3A_849 = arith.index_cast %swap3A_848 : i32 to index
      %swap3A_850 = arith.constant 0 : index
      %swap3A_851 = tpu.vector_load %arg10[%swap3A_849, %swap3A_850] {strides = array<i32>} : memref<16x16xf32, #tpu.memory_space<vmem>>, vector<1x16xf32>,
      %swap3A_852 = vector.shape_cast %swap3A_851 : vector<1x16xf32> to vector<16xf32>
      %swap3A_853 = vector.shape_cast %select_n3A_847 : vector<16xf32> to vector<1x16xf32>
      tpu.vector_store %arg10[%swap3A_849, %swap3A_850], %swap3A_853 {add = true, strides = array<i32>} : memref<16x16xf32, #tpu.memory_space<vmem>>, vector<1x16xf32>,
      %mul3A_854 = arith.mulf %exp3A_767, %div3A_811 : vector<16xf32>
      %swap3A_855 = arith.constant 2 : i32
      %swap3A_856 = arith.index_cast %swap3A_855 : i32 to index
      %swap3A_857 = arith.constant 0 : index
      %swap3A_858 = tpu.vector_load %arg9[%swap3A_856, %swap3A_857] {strides = array<i32>} : memref<16x16xf32, #tpu.memory_space<vmem>>, vector<1x16xf32>,
      %swap3A_859 = vector.shape_cast %swap3A_858 : vector<1x16xf32> to vector<16xf32>
      %swap3A_860 = vector.shape_cast %mul3A_854 : vector<16xf32> to vector<1x16xf32>
      tpu.vector_store %arg9[%swap3A_856, %swap3A_857], %swap3A_860 {add = true, strides = array<i32>} : memref<16x16xf32, #tpu.memory_space<vmem>>, vector<1x16xf32>,
      %eq3A_861 = arith.constant 2.000000e+00 : f32
      %eq3A_862 = vector.broadcast %eq3A_861 : f32 to vector<16xf32>
      %eq3A_863 = arith.cmpf oeq, %min3A_406, %eq3A_862 : vector<16xf32>
      %jit3A_864 = arith.constant 1.000000e+00 : f32
      %jit3A_865 = arith.constant 0.000000e+00 : f32
      %broadcast_in_dim3A_866 = vector.broadcast %jit3A_864 : f32 to vector<16xf32>
      %broadcast_in_dim3A_867 = vector.broadcast %jit3A_865 : f32 to vector<16xf32>
      %select_n3A_868 = arith.select %eq3A_863, %broadcast_in_dim3A_866, %broadcast_in_dim3A_867 : vector<16xi1>, vector<16xf32>
      %swap3A_869 = arith.constant 2 : i32
      %swap3A_870 = arith.index_cast %swap3A_869 : i32 to index
      %swap3A_871 = arith.constant 0 : index
      %swap3A_872 = tpu.vector_load %arg10[%swap3A_870, %swap3A_871] {strides = array<i32>} : memref<16x16xf32, #tpu.memory_space<vmem>>, vector<1x16xf32>,
      %swap3A_873 = vector.shape_cast %swap3A_872 : vector<1x16xf32> to vector<16xf32>
      %swap3A_874 = vector.shape_cast %select_n3A_868 : vector<16xf32> to vector<1x16xf32>
      tpu.vector_store %arg10[%swap3A_870, %swap3A_871], %swap3A_874 {add = true, strides = array<i32>} : memref<16x16xf32, #tpu.memory_space<vmem>>, vector<1x16xf32>,
      %mul3A_875 = arith.mulf %exp3A_769, %div3A_811 : vector<16xf32>
      %swap3A_876 = arith.constant 3 : i32
      %swap3A_877 = arith.index_cast %swap3A_876 : i32 to index
      %swap3A_878 = arith.constant 0 : index
      %swap3A_879 = tpu.vector_load %arg9[%swap3A_877, %swap3A_878] {strides = array<i32>} : memref<16x16xf32, #tpu.memory_space<vmem>>, vector<1x16xf32>,
      %swap3A_880 = vector.shape_cast %swap3A_879 : vector<1x16xf32> to vector<16xf32>
      %swap3A_881 = vector.shape_cast %mul3A_875 : vector<16xf32> to vector<1x16xf32>
      tpu.vector_store %arg9[%swap3A_877, %swap3A_878], %swap3A_881 {add = true, strides = array<i32>} : memref<16x16xf32, #tpu.memory_space<vmem>>, vector<1x16xf32>,
      %eq3A_882 = arith.constant 3.000000e+00 : f32
      %eq3A_883 = vector.broadcast %eq3A_882 : f32 to vector<16xf32>
      %eq3A_884 = arith.cmpf oeq, %min3A_406, %eq3A_883 : vector<16xf32>
      %jit3A_885 = arith.constant 1.000000e+00 : f32
      %jit3A_886 = arith.constant 0.000000e+00 : f32
      %broadcast_in_dim3A_887 = vector.broadcast %jit3A_885 : f32 to vector<16xf32>
      %broadcast_in_dim3A_888 = vector.broadcast %jit3A_886 : f32 to vector<16xf32>
      %select_n3A_889 = arith.select %eq3A_884, %broadcast_in_dim3A_887, %broadcast_in_dim3A_888 : vector<16xi1>, vector<16xf32>
      %swap3A_890 = arith.constant 3 : i32
      %swap3A_891 = arith.index_cast %swap3A_890 : i32 to index
      %swap3A_892 = arith.constant 0 : index
      %swap3A_893 = tpu.vector_load %arg10[%swap3A_891, %swap3A_892] {strides = array<i32>} : memref<16x16xf32, #tpu.memory_space<vmem>>, vector<1x16xf32>,
      %swap3A_894 = vector.shape_cast %swap3A_893 : vector<1x16xf32> to vector<16xf32>
      %swap3A_895 = vector.shape_cast %select_n3A_889 : vector<16xf32> to vector<1x16xf32>
      tpu.vector_store %arg10[%swap3A_891, %swap3A_892], %swap3A_895 {add = true, strides = array<i32>} : memref<16x16xf32, #tpu.memory_space<vmem>>, vector<1x16xf32>,
      %mul3A_896 = arith.mulf %exp3A_771, %div3A_811 : vector<16xf32>
      %swap3A_897 = arith.constant 4 : i32
      %swap3A_898 = arith.index_cast %swap3A_897 : i32 to index
      %swap3A_899 = arith.constant 0 : index
      %swap3A_900 = tpu.vector_load %arg9[%swap3A_898, %swap3A_899] {strides = array<i32>} : memref<16x16xf32, #tpu.memory_space<vmem>>, vector<1x16xf32>,
      %swap3A_901 = vector.shape_cast %swap3A_900 : vector<1x16xf32> to vector<16xf32>
      %swap3A_902 = vector.shape_cast %mul3A_896 : vector<16xf32> to vector<1x16xf32>
      tpu.vector_store %arg9[%swap3A_898, %swap3A_899], %swap3A_902 {add = true, strides = array<i32>} : memref<16x16xf32, #tpu.memory_space<vmem>>, vector<1x16xf32>,
      %eq3A_903 = arith.constant 4.000000e+00 : f32
      %eq3A_904 = vector.broadcast %eq3A_903 : f32 to vector<16xf32>
      %eq3A_905 = arith.cmpf oeq, %min3A_406, %eq3A_904 : vector<16xf32>
      %jit3A_906 = arith.constant 1.000000e+00 : f32
      %jit3A_907 = arith.constant 0.000000e+00 : f32
      %broadcast_in_dim3A_908 = vector.broadcast %jit3A_906 : f32 to vector<16xf32>
      %broadcast_in_dim3A_909 = vector.broadcast %jit3A_907 : f32 to vector<16xf32>
      %select_n3A_910 = arith.select %eq3A_905, %broadcast_in_dim3A_908, %broadcast_in_dim3A_909 : vector<16xi1>, vector<16xf32>
      %swap3A_911 = arith.constant 4 : i32
      %swap3A_912 = arith.index_cast %swap3A_911 : i32 to index
      %swap3A_913 = arith.constant 0 : index
      %swap3A_914 = tpu.vector_load %arg10[%swap3A_912, %swap3A_913] {strides = array<i32>} : memref<16x16xf32, #tpu.memory_space<vmem>>, vector<1x16xf32>,
      %swap3A_915 = vector.shape_cast %swap3A_914 : vector<1x16xf32> to vector<16xf32>
      %swap3A_916 = vector.shape_cast %select_n3A_910 : vector<16xf32> to vector<1x16xf32>
      tpu.vector_store %arg10[%swap3A_912, %swap3A_913], %swap3A_916 {add = true, strides = array<i32>} : memref<16x16xf32, #tpu.memory_space<vmem>>, vector<1x16xf32>,
      %mul3A_917 = arith.mulf %exp3A_773, %div3A_811 : vector<16xf32>
      %swap3A_918 = arith.constant 5 : i32
      %swap3A_919 = arith.index_cast %swap3A_918 : i32 to index
      %swap3A_920 = arith.constant 0 : index
      %swap3A_921 = tpu.vector_load %arg9[%swap3A_919, %swap3A_920] {strides = array<i32>} : memref<16x16xf32, #tpu.memory_space<vmem>>, vector<1x16xf32>,
      %swap3A_922 = vector.shape_cast %swap3A_921 : vector<1x16xf32> to vector<16xf32>
      %swap3A_923 = vector.shape_cast %mul3A_917 : vector<16xf32> to vector<1x16xf32>
      tpu.vector_store %arg9[%swap3A_919, %swap3A_920], %swap3A_923 {add = true, strides = array<i32>} : memref<16x16xf32, #tpu.memory_space<vmem>>, vector<1x16xf32>,
      %eq3A_924 = arith.constant 5.000000e+00 : f32
      %eq3A_925 = vector.broadcast %eq3A_924 : f32 to vector<16xf32>
      %eq3A_926 = arith.cmpf oeq, %min3A_406, %eq3A_925 : vector<16xf32>
      %jit3A_927 = arith.constant 1.000000e+00 : f32
      %jit3A_928 = arith.constant 0.000000e+00 : f32
      %broadcast_in_dim3A_929 = vector.broadcast %jit3A_927 : f32 to vector<16xf32>
      %broadcast_in_dim3A_930 = vector.broadcast %jit3A_928 : f32 to vector<16xf32>
      %select_n3A_931 = arith.select %eq3A_926, %broadcast_in_dim3A_929, %broadcast_in_dim3A_930 : vector<16xi1>, vector<16xf32>
      %swap3A_932 = arith.constant 5 : i32
      %swap3A_933 = arith.index_cast %swap3A_932 : i32 to index
      %swap3A_934 = arith.constant 0 : index
      %swap3A_935 = tpu.vector_load %arg10[%swap3A_933, %swap3A_934] {strides = array<i32>} : memref<16x16xf32, #tpu.memory_space<vmem>>, vector<1x16xf32>,
      %swap3A_936 = vector.shape_cast %swap3A_935 : vector<1x16xf32> to vector<16xf32>
      %swap3A_937 = vector.shape_cast %select_n3A_931 : vector<16xf32> to vector<1x16xf32>
      tpu.vector_store %arg10[%swap3A_933, %swap3A_934], %swap3A_937 {add = true, strides = array<i32>} : memref<16x16xf32, #tpu.memory_space<vmem>>, vector<1x16xf32>,
      %mul3A_938 = arith.mulf %exp3A_775, %div3A_811 : vector<16xf32>
      %swap3A_939 = arith.constant 6 : i32
      %swap3A_940 = arith.index_cast %swap3A_939 : i32 to index
      %swap3A_941 = arith.constant 0 : index
      %swap3A_942 = tpu.vector_load %arg9[%swap3A_940, %swap3A_941] {strides = array<i32>} : memref<16x16xf32, #tpu.memory_space<vmem>>, vector<1x16xf32>,
      %swap3A_943 = vector.shape_cast %swap3A_942 : vector<1x16xf32> to vector<16xf32>
      %swap3A_944 = vector.shape_cast %mul3A_938 : vector<16xf32> to vector<1x16xf32>
      tpu.vector_store %arg9[%swap3A_940, %swap3A_941], %swap3A_944 {add = true, strides = array<i32>} : memref<16x16xf32, #tpu.memory_space<vmem>>, vector<1x16xf32>,
      %eq3A_945 = arith.constant 6.000000e+00 : f32
      %eq3A_946 = vector.broadcast %eq3A_945 : f32 to vector<16xf32>
      %eq3A_947 = arith.cmpf oeq, %min3A_406, %eq3A_946 : vector<16xf32>
      %jit3A_948 = arith.constant 1.000000e+00 : f32
      %jit3A_949 = arith.constant 0.000000e+00 : f32
      %broadcast_in_dim3A_950 = vector.broadcast %jit3A_948 : f32 to vector<16xf32>
      %broadcast_in_dim3A_951 = vector.broadcast %jit3A_949 : f32 to vector<16xf32>
      %select_n3A_952 = arith.select %eq3A_947, %broadcast_in_dim3A_950, %broadcast_in_dim3A_951 : vector<16xi1>, vector<16xf32>
      %swap3A_953 = arith.constant 6 : i32
      %swap3A_954 = arith.index_cast %swap3A_953 : i32 to index
      %swap3A_955 = arith.constant 0 : index
      %swap3A_956 = tpu.vector_load %arg10[%swap3A_954, %swap3A_955] {strides = array<i32>} : memref<16x16xf32, #tpu.memory_space<vmem>>, vector<1x16xf32>,
      %swap3A_957 = vector.shape_cast %swap3A_956 : vector<1x16xf32> to vector<16xf32>
      %swap3A_958 = vector.shape_cast %select_n3A_952 : vector<16xf32> to vector<1x16xf32>
      tpu.vector_store %arg10[%swap3A_954, %swap3A_955], %swap3A_958 {add = true, strides = array<i32>} : memref<16x16xf32, #tpu.memory_space<vmem>>, vector<1x16xf32>,
      %mul3A_959 = arith.mulf %exp3A_777, %div3A_811 : vector<16xf32>
      %swap3A_960 = arith.constant 7 : i32
      %swap3A_961 = arith.index_cast %swap3A_960 : i32 to index
      %swap3A_962 = arith.constant 0 : index
      %swap3A_963 = tpu.vector_load %arg9[%swap3A_961, %swap3A_962] {strides = array<i32>} : memref<16x16xf32, #tpu.memory_space<vmem>>, vector<1x16xf32>,
      %swap3A_964 = vector.shape_cast %swap3A_963 : vector<1x16xf32> to vector<16xf32>
      %swap3A_965 = vector.shape_cast %mul3A_959 : vector<16xf32> to vector<1x16xf32>
      tpu.vector_store %arg9[%swap3A_961, %swap3A_962], %swap3A_965 {add = true, strides = array<i32>} : memref<16x16xf32, #tpu.memory_space<vmem>>, vector<1x16xf32>,
      %eq3A_966 = arith.constant 7.000000e+00 : f32
      %eq3A_967 = vector.broadcast %eq3A_966 : f32 to vector<16xf32>
      %eq3A_968 = arith.cmpf oeq, %min3A_406, %eq3A_967 : vector<16xf32>
      %jit3A_969 = arith.constant 1.000000e+00 : f32
      %jit3A_970 = arith.constant 0.000000e+00 : f32
      %broadcast_in_dim3A_971 = vector.broadcast %jit3A_969 : f32 to vector<16xf32>
      %broadcast_in_dim3A_972 = vector.broadcast %jit3A_970 : f32 to vector<16xf32>
      %select_n3A_973 = arith.select %eq3A_968, %broadcast_in_dim3A_971, %broadcast_in_dim3A_972 : vector<16xi1>, vector<16xf32>
      %swap3A_974 = arith.constant 7 : i32
      %swap3A_975 = arith.index_cast %swap3A_974 : i32 to index
      %swap3A_976 = arith.constant 0 : index
      %swap3A_977 = tpu.vector_load %arg10[%swap3A_975, %swap3A_976] {strides = array<i32>} : memref<16x16xf32, #tpu.memory_space<vmem>>, vector<1x16xf32>,
      %swap3A_978 = vector.shape_cast %swap3A_977 : vector<1x16xf32> to vector<16xf32>
      %swap3A_979 = vector.shape_cast %select_n3A_973 : vector<16xf32> to vector<1x16xf32>
      tpu.vector_store %arg10[%swap3A_975, %swap3A_976], %swap3A_979 {add = true, strides = array<i32>} : memref<16x16xf32, #tpu.memory_space<vmem>>, vector<1x16xf32>,
      %mul3A_980 = arith.mulf %exp3A_779, %div3A_811 : vector<16xf32>
      %swap3A_981 = arith.constant 8 : i32
      %swap3A_982 = arith.index_cast %swap3A_981 : i32 to index
      %swap3A_983 = arith.constant 0 : index
      %swap3A_984 = tpu.vector_load %arg9[%swap3A_982, %swap3A_983] {strides = array<i32>} : memref<16x16xf32, #tpu.memory_space<vmem>>, vector<1x16xf32>,
      %swap3A_985 = vector.shape_cast %swap3A_984 : vector<1x16xf32> to vector<16xf32>
      %swap3A_986 = vector.shape_cast %mul3A_980 : vector<16xf32> to vector<1x16xf32>
      tpu.vector_store %arg9[%swap3A_982, %swap3A_983], %swap3A_986 {add = true, strides = array<i32>} : memref<16x16xf32, #tpu.memory_space<vmem>>, vector<1x16xf32>,
      %eq3A_987 = arith.constant 8.000000e+00 : f32
      %eq3A_988 = vector.broadcast %eq3A_987 : f32 to vector<16xf32>
      %eq3A_989 = arith.cmpf oeq, %min3A_406, %eq3A_988 : vector<16xf32>
      %jit3A_990 = arith.constant 1.000000e+00 : f32
      %jit3A_991 = arith.constant 0.000000e+00 : f32
      %broadcast_in_dim3A_992 = vector.broadcast %jit3A_990 : f32 to vector<16xf32>
      %broadcast_in_dim3A_993 = vector.broadcast %jit3A_991 : f32 to vector<16xf32>
      %select_n3A_994 = arith.select %eq3A_989, %broadcast_in_dim3A_992, %broadcast_in_dim3A_993 : vector<16xi1>, vector<16xf32>
      %swap3A_995 = arith.constant 8 : i32
      %swap3A_996 = arith.index_cast %swap3A_995 : i32 to index
      %swap3A_997 = arith.constant 0 : index
      %swap3A_998 = tpu.vector_load %arg10[%swap3A_996, %swap3A_997] {strides = array<i32>} : memref<16x16xf32, #tpu.memory_space<vmem>>, vector<1x16xf32>,
      %swap3A_999 = vector.shape_cast %swap3A_998 : vector<1x16xf32> to vector<16xf32>
      %swap3A_1000 = vector.shape_cast %select_n3A_994 : vector<16xf32> to vector<1x16xf32>
      tpu.vector_store %arg10[%swap3A_996, %swap3A_997], %swap3A_1000 {add = true, strides = array<i32>} : memref<16x16xf32, #tpu.memory_space<vmem>>, vector<1x16xf32>,
      %mul3A_1001 = arith.mulf %exp3A_781, %div3A_811 : vector<16xf32>
      %swap3A_1002 = arith.constant 9 : i32
      %swap3A_1003 = arith.index_cast %swap3A_1002 : i32 to index
      %swap3A_1004 = arith.constant 0 : index
      %swap3A_1005 = tpu.vector_load %arg9[%swap3A_1003, %swap3A_1004] {strides = array<i32>} : memref<16x16xf32, #tpu.memory_space<vmem>>, vector<1x16xf32>,
      %swap3A_1006 = vector.shape_cast %swap3A_1005 : vector<1x16xf32> to vector<16xf32>
      %swap3A_1007 = vector.shape_cast %mul3A_1001 : vector<16xf32> to vector<1x16xf32>
      tpu.vector_store %arg9[%swap3A_1003, %swap3A_1004], %swap3A_1007 {add = true, strides = array<i32>} : memref<16x16xf32, #tpu.memory_space<vmem>>, vector<1x16xf32>,
      %eq3A_1008 = arith.constant 9.000000e+00 : f32
      %eq3A_1009 = vector.broadcast %eq3A_1008 : f32 to vector<16xf32>
      %eq3A_1010 = arith.cmpf oeq, %min3A_406, %eq3A_1009 : vector<16xf32>
      %jit3A_1011 = arith.constant 1.000000e+00 : f32
      %jit3A_1012 = arith.constant 0.000000e+00 : f32
      %broadcast_in_dim3A_1013 = vector.broadcast %jit3A_1011 : f32 to vector<16xf32>
      %broadcast_in_dim3A_1014 = vector.broadcast %jit3A_1012 : f32 to vector<16xf32>
      %select_n3A_1015 = arith.select %eq3A_1010, %broadcast_in_dim3A_1013, %broadcast_in_dim3A_1014 : vector<16xi1>, vector<16xf32>
      %swap3A_1016 = arith.constant 9 : i32
      %swap3A_1017 = arith.index_cast %swap3A_1016 : i32 to index
      %swap3A_1018 = arith.constant 0 : index
      %swap3A_1019 = tpu.vector_load %arg10[%swap3A_1017, %swap3A_1018] {strides = array<i32>} : memref<16x16xf32, #tpu.memory_space<vmem>>, vector<1x16xf32>,
      %swap3A_1020 = vector.shape_cast %swap3A_1019 : vector<1x16xf32> to vector<16xf32>
      %swap3A_1021 = vector.shape_cast %select_n3A_1015 : vector<16xf32> to vector<1x16xf32>
      tpu.vector_store %arg10[%swap3A_1017, %swap3A_1018], %swap3A_1021 {add = true, strides = array<i32>} : memref<16x16xf32, #tpu.memory_space<vmem>>, vector<1x16xf32>,
      %mul3A_1022 = arith.mulf %exp3A_783, %div3A_811 : vector<16xf32>
      %swap3A_1023 = arith.constant 10 : i32
      %swap3A_1024 = arith.index_cast %swap3A_1023 : i32 to index
      %swap3A_1025 = arith.constant 0 : index
      %swap3A_1026 = tpu.vector_load %arg9[%swap3A_1024, %swap3A_1025] {strides = array<i32>} : memref<16x16xf32, #tpu.memory_space<vmem>>, vector<1x16xf32>,
      %swap3A_1027 = vector.shape_cast %swap3A_1026 : vector<1x16xf32> to vector<16xf32>
      %swap3A_1028 = vector.shape_cast %mul3A_1022 : vector<16xf32> to vector<1x16xf32>
      tpu.vector_store %arg9[%swap3A_1024, %swap3A_1025], %swap3A_1028 {add = true, strides = array<i32>} : memref<16x16xf32, #tpu.memory_space<vmem>>, vector<1x16xf32>,
      %eq3A_1029 = arith.constant 1.000000e+01 : f32
      %eq3A_1030 = vector.broadcast %eq3A_1029 : f32 to vector<16xf32>
      %eq3A_1031 = arith.cmpf oeq, %min3A_406, %eq3A_1030 : vector<16xf32>
      %jit3A_1032 = arith.constant 1.000000e+00 : f32
      %jit3A_1033 = arith.constant 0.000000e+00 : f32
      %broadcast_in_dim3A_1034 = vector.broadcast %jit3A_1032 : f32 to vector<16xf32>
      %broadcast_in_dim3A_1035 = vector.broadcast %jit3A_1033 : f32 to vector<16xf32>
      %select_n3A_1036 = arith.select %eq3A_1031, %broadcast_in_dim3A_1034, %broadcast_in_dim3A_1035 : vector<16xi1>, vector<16xf32>
      %swap3A_1037 = arith.constant 10 : i32
      %swap3A_1038 = arith.index_cast %swap3A_1037 : i32 to index
      %swap3A_1039 = arith.constant 0 : index
      %swap3A_1040 = tpu.vector_load %arg10[%swap3A_1038, %swap3A_1039] {strides = array<i32>} : memref<16x16xf32, #tpu.memory_space<vmem>>, vector<1x16xf32>,
      %swap3A_1041 = vector.shape_cast %swap3A_1040 : vector<1x16xf32> to vector<16xf32>
      %swap3A_1042 = vector.shape_cast %select_n3A_1036 : vector<16xf32> to vector<1x16xf32>
      tpu.vector_store %arg10[%swap3A_1038, %swap3A_1039], %swap3A_1042 {add = true, strides = array<i32>} : memref<16x16xf32, #tpu.memory_space<vmem>>, vector<1x16xf32>,
      %mul3A_1043 = arith.mulf %exp3A_785, %div3A_811 : vector<16xf32>
      %swap3A_1044 = arith.constant 11 : i32
      %swap3A_1045 = arith.index_cast %swap3A_1044 : i32 to index
      %swap3A_1046 = arith.constant 0 : index
      %swap3A_1047 = tpu.vector_load %arg9[%swap3A_1045, %swap3A_1046] {strides = array<i32>} : memref<16x16xf32, #tpu.memory_space<vmem>>, vector<1x16xf32>,
      %swap3A_1048 = vector.shape_cast %swap3A_1047 : vector<1x16xf32> to vector<16xf32>
      %swap3A_1049 = vector.shape_cast %mul3A_1043 : vector<16xf32> to vector<1x16xf32>
      tpu.vector_store %arg9[%swap3A_1045, %swap3A_1046], %swap3A_1049 {add = true, strides = array<i32>} : memref<16x16xf32, #tpu.memory_space<vmem>>, vector<1x16xf32>,
      %eq3A_1050 = arith.constant 1.100000e+01 : f32
      %eq3A_1051 = vector.broadcast %eq3A_1050 : f32 to vector<16xf32>
      %eq3A_1052 = arith.cmpf oeq, %min3A_406, %eq3A_1051 : vector<16xf32>
      %jit3A_1053 = arith.constant 1.000000e+00 : f32
      %jit3A_1054 = arith.constant 0.000000e+00 : f32
      %broadcast_in_dim3A_1055 = vector.broadcast %jit3A_1053 : f32 to vector<16xf32>
      %broadcast_in_dim3A_1056 = vector.broadcast %jit3A_1054 : f32 to vector<16xf32>
      %select_n3A_1057 = arith.select %eq3A_1052, %broadcast_in_dim3A_1055, %broadcast_in_dim3A_1056 : vector<16xi1>, vector<16xf32>
      %swap3A_1058 = arith.constant 11 : i32
      %swap3A_1059 = arith.index_cast %swap3A_1058 : i32 to index
      %swap3A_1060 = arith.constant 0 : index
      %swap3A_1061 = tpu.vector_load %arg10[%swap3A_1059, %swap3A_1060] {strides = array<i32>} : memref<16x16xf32, #tpu.memory_space<vmem>>, vector<1x16xf32>,
      %swap3A_1062 = vector.shape_cast %swap3A_1061 : vector<1x16xf32> to vector<16xf32>
      %swap3A_1063 = vector.shape_cast %select_n3A_1057 : vector<16xf32> to vector<1x16xf32>
      tpu.vector_store %arg10[%swap3A_1059, %swap3A_1060], %swap3A_1063 {add = true, strides = array<i32>} : memref<16x16xf32, #tpu.memory_space<vmem>>, vector<1x16xf32>,
      %mul3A_1064 = arith.mulf %exp3A_787, %div3A_811 : vector<16xf32>
      %swap3A_1065 = arith.constant 12 : i32
      %swap3A_1066 = arith.index_cast %swap3A_1065 : i32 to index
      %swap3A_1067 = arith.constant 0 : index
      %swap3A_1068 = tpu.vector_load %arg9[%swap3A_1066, %swap3A_1067] {strides = array<i32>} : memref<16x16xf32, #tpu.memory_space<vmem>>, vector<1x16xf32>,
      %swap3A_1069 = vector.shape_cast %swap3A_1068 : vector<1x16xf32> to vector<16xf32>
      %swap3A_1070 = vector.shape_cast %mul3A_1064 : vector<16xf32> to vector<1x16xf32>
      tpu.vector_store %arg9[%swap3A_1066, %swap3A_1067], %swap3A_1070 {add = true, strides = array<i32>} : memref<16x16xf32, #tpu.memory_space<vmem>>, vector<1x16xf32>,
      %eq3A_1071 = arith.constant 1.200000e+01 : f32
      %eq3A_1072 = vector.broadcast %eq3A_1071 : f32 to vector<16xf32>
      %eq3A_1073 = arith.cmpf oeq, %min3A_406, %eq3A_1072 : vector<16xf32>
      %jit3A_1074 = arith.constant 1.000000e+00 : f32
      %jit3A_1075 = arith.constant 0.000000e+00 : f32
      %broadcast_in_dim3A_1076 = vector.broadcast %jit3A_1074 : f32 to vector<16xf32>
      %broadcast_in_dim3A_1077 = vector.broadcast %jit3A_1075 : f32 to vector<16xf32>
      %select_n3A_1078 = arith.select %eq3A_1073, %broadcast_in_dim3A_1076, %broadcast_in_dim3A_1077 : vector<16xi1>, vector<16xf32>
      %swap3A_1079 = arith.constant 12 : i32
      %swap3A_1080 = arith.index_cast %swap3A_1079 : i32 to index
      %swap3A_1081 = arith.constant 0 : index
      %swap3A_1082 = tpu.vector_load %arg10[%swap3A_1080, %swap3A_1081] {strides = array<i32>} : memref<16x16xf32, #tpu.memory_space<vmem>>, vector<1x16xf32>,
      %swap3A_1083 = vector.shape_cast %swap3A_1082 : vector<1x16xf32> to vector<16xf32>
      %swap3A_1084 = vector.shape_cast %select_n3A_1078 : vector<16xf32> to vector<1x16xf32>
      tpu.vector_store %arg10[%swap3A_1080, %swap3A_1081], %swap3A_1084 {add = true, strides = array<i32>} : memref<16x16xf32, #tpu.memory_space<vmem>>, vector<1x16xf32>,
      %mul3A_1085 = arith.mulf %exp3A_789, %div3A_811 : vector<16xf32>
      %swap3A_1086 = arith.constant 13 : i32
      %swap3A_1087 = arith.index_cast %swap3A_1086 : i32 to index
      %swap3A_1088 = arith.constant 0 : index
      %swap3A_1089 = tpu.vector_load %arg9[%swap3A_1087, %swap3A_1088] {strides = array<i32>} : memref<16x16xf32, #tpu.memory_space<vmem>>, vector<1x16xf32>,
      %swap3A_1090 = vector.shape_cast %swap3A_1089 : vector<1x16xf32> to vector<16xf32>
      %swap3A_1091 = vector.shape_cast %mul3A_1085 : vector<16xf32> to vector<1x16xf32>
      tpu.vector_store %arg9[%swap3A_1087, %swap3A_1088], %swap3A_1091 {add = true, strides = array<i32>} : memref<16x16xf32, #tpu.memory_space<vmem>>, vector<1x16xf32>,
      %eq3A_1092 = arith.constant 1.300000e+01 : f32
      %eq3A_1093 = vector.broadcast %eq3A_1092 : f32 to vector<16xf32>
      %eq3A_1094 = arith.cmpf oeq, %min3A_406, %eq3A_1093 : vector<16xf32>
      %jit3A_1095 = arith.constant 1.000000e+00 : f32
      %jit3A_1096 = arith.constant 0.000000e+00 : f32
      %broadcast_in_dim3A_1097 = vector.broadcast %jit3A_1095 : f32 to vector<16xf32>
      %broadcast_in_dim3A_1098 = vector.broadcast %jit3A_1096 : f32 to vector<16xf32>
      %select_n3A_1099 = arith.select %eq3A_1094, %broadcast_in_dim3A_1097, %broadcast_in_dim3A_1098 : vector<16xi1>, vector<16xf32>
      %swap3A_1100 = arith.constant 13 : i32
      %swap3A_1101 = arith.index_cast %swap3A_1100 : i32 to index
      %swap3A_1102 = arith.constant 0 : index
      %swap3A_1103 = tpu.vector_load %arg10[%swap3A_1101, %swap3A_1102] {strides = array<i32>} : memref<16x16xf32, #tpu.memory_space<vmem>>, vector<1x16xf32>,
      %swap3A_1104 = vector.shape_cast %swap3A_1103 : vector<1x16xf32> to vector<16xf32>
      %swap3A_1105 = vector.shape_cast %select_n3A_1099 : vector<16xf32> to vector<1x16xf32>
      tpu.vector_store %arg10[%swap3A_1101, %swap3A_1102], %swap3A_1105 {add = true, strides = array<i32>} : memref<16x16xf32, #tpu.memory_space<vmem>>, vector<1x16xf32>,
      %mul3A_1106 = arith.mulf %exp3A_791, %div3A_811 : vector<16xf32>
      %swap3A_1107 = arith.constant 14 : i32
      %swap3A_1108 = arith.index_cast %swap3A_1107 : i32 to index
      %swap3A_1109 = arith.constant 0 : index
      %swap3A_1110 = tpu.vector_load %arg9[%swap3A_1108, %swap3A_1109] {strides = array<i32>} : memref<16x16xf32, #tpu.memory_space<vmem>>, vector<1x16xf32>,
      %swap3A_1111 = vector.shape_cast %swap3A_1110 : vector<1x16xf32> to vector<16xf32>
      %swap3A_1112 = vector.shape_cast %mul3A_1106 : vector<16xf32> to vector<1x16xf32>
      tpu.vector_store %arg9[%swap3A_1108, %swap3A_1109], %swap3A_1112 {add = true, strides = array<i32>} : memref<16x16xf32, #tpu.memory_space<vmem>>, vector<1x16xf32>,
      %eq3A_1113 = arith.constant 1.400000e+01 : f32
      %eq3A_1114 = vector.broadcast %eq3A_1113 : f32 to vector<16xf32>
      %eq3A_1115 = arith.cmpf oeq, %min3A_406, %eq3A_1114 : vector<16xf32>
      %jit3A_1116 = arith.constant 1.000000e+00 : f32
      %jit3A_1117 = arith.constant 0.000000e+00 : f32
      %broadcast_in_dim3A_1118 = vector.broadcast %jit3A_1116 : f32 to vector<16xf32>
      %broadcast_in_dim3A_1119 = vector.broadcast %jit3A_1117 : f32 to vector<16xf32>
      %select_n3A_1120 = arith.select %eq3A_1115, %broadcast_in_dim3A_1118, %broadcast_in_dim3A_1119 : vector<16xi1>, vector<16xf32>
      %swap3A_1121 = arith.constant 14 : i32
      %swap3A_1122 = arith.index_cast %swap3A_1121 : i32 to index
      %swap3A_1123 = arith.constant 0 : index
      %swap3A_1124 = tpu.vector_load %arg10[%swap3A_1122, %swap3A_1123] {strides = array<i32>} : memref<16x16xf32, #tpu.memory_space<vmem>>, vector<1x16xf32>,
      %swap3A_1125 = vector.shape_cast %swap3A_1124 : vector<1x16xf32> to vector<16xf32>
      %swap3A_1126 = vector.shape_cast %select_n3A_1120 : vector<16xf32> to vector<1x16xf32>
      tpu.vector_store %arg10[%swap3A_1122, %swap3A_1123], %swap3A_1126 {add = true, strides = array<i32>} : memref<16x16xf32, #tpu.memory_space<vmem>>, vector<1x16xf32>,
      %mul3A_1127 = arith.mulf %exp3A_793, %div3A_811 : vector<16xf32>
      %swap3A_1128 = arith.constant 15 : i32
      %swap3A_1129 = arith.index_cast %swap3A_1128 : i32 to index
      %swap3A_1130 = arith.constant 0 : index
      %swap3A_1131 = tpu.vector_load %arg9[%swap3A_1129, %swap3A_1130] {strides = array<i32>} : memref<16x16xf32, #tpu.memory_space<vmem>>, vector<1x16xf32>,
      %swap3A_1132 = vector.shape_cast %swap3A_1131 : vector<1x16xf32> to vector<16xf32>
      %swap3A_1133 = vector.shape_cast %mul3A_1127 : vector<16xf32> to vector<1x16xf32>
      tpu.vector_store %arg9[%swap3A_1129, %swap3A_1130], %swap3A_1133 {add = true, strides = array<i32>} : memref<16x16xf32, #tpu.memory_space<vmem>>, vector<1x16xf32>,
      %eq3A_1134 = arith.constant 1.500000e+01 : f32
      %eq3A_1135 = vector.broadcast %eq3A_1134 : f32 to vector<16xf32>
      %eq3A_1136 = arith.cmpf oeq, %min3A_406, %eq3A_1135 : vector<16xf32>
      %jit3A_1137 = arith.constant 1.000000e+00 : f32
      %jit3A_1138 = arith.constant 0.000000e+00 : f32
      %broadcast_in_dim3A_1139 = vector.broadcast %jit3A_1137 : f32 to vector<16xf32>
      %broadcast_in_dim3A_1140 = vector.broadcast %jit3A_1138 : f32 to vector<16xf32>
      %select_n3A_1141 = arith.select %eq3A_1136, %broadcast_in_dim3A_1139, %broadcast_in_dim3A_1140 : vector<16xi1>, vector<16xf32>
      %swap3A_1142 = arith.constant 15 : i32
      %swap3A_1143 = arith.index_cast %swap3A_1142 : i32 to index
      %swap3A_1144 = arith.constant 0 : index
      %swap3A_1145 = tpu.vector_load %arg10[%swap3A_1143, %swap3A_1144] {strides = array<i32>} : memref<16x16xf32, #tpu.memory_space<vmem>>, vector<1x16xf32>,
      %swap3A_1146 = vector.shape_cast %swap3A_1145 : vector<1x16xf32> to vector<16xf32>
      %swap3A_1147 = vector.shape_cast %select_n3A_1141 : vector<16xf32> to vector<1x16xf32>
      tpu.vector_store %arg10[%swap3A_1143, %swap3A_1144], %swap3A_1147 {add = true, strides = array<i32>} : memref<16x16xf32, #tpu.memory_space<vmem>>, vector<1x16xf32>,
    }
    %scan3A_199 = arith.constant 32 : i32
    "tpu.region"() ({
      %run_scoped3A_201 = tpu.sem_alloc : memref<!tpu.dma_semaphore, #tpu.memory_space<semaphore_mem>>
      %dma_start3A = arith.constant 0 : i32
      %dma_start3A_202 = tpu.memref_slice %arg3[%dma_start3A, %mul3A_2] : memref<2x16384xf32, #tpu.memory_space<hbm>> -> memref<2x512xf32, #tpu.memory_space<hbm>>
      %dma_start3A_203 = arith.constant 0 : i32
      %dma_start3A_204 = tpu.memref_slice %arg3[%dma_start3A_203, %mul3A_2] : memref<2x16384xf32, #tpu.memory_space<hbm>> -> memref<2x512xf32, #tpu.memory_space<hbm>>
      tpu.enqueue_dma source(%arg7 : memref<2x512xf32, #tpu.memory_space<vmem>>) target(%dma_start3A_204 : memref<2x512xf32, #tpu.memory_space<hbm>>) target_semaphore(%run_scoped3A_201 : memref<!tpu.dma_semaphore, #tpu.memory_space<semaphore_mem>>)
      %dma_wait3A = arith.constant 0 : i32
      %dma_wait3A_205 = tpu.memref_slice %arg3[%dma_wait3A, %mul3A_2] : memref<2x16384xf32, #tpu.memory_space<hbm>> -> memref<2x512xf32, #tpu.memory_space<hbm>>
      %dma_wait3A_206 = arith.constant 0 : i32
      %dma_wait3A_207 = tpu.memref_slice %arg3[%dma_wait3A_206, %mul3A_2] : memref<2x16384xf32, #tpu.memory_space<hbm>> -> memref<2x512xf32, #tpu.memory_space<hbm>>
      tpu.wait_dma2 semaphore(%run_scoped3A_201 : memref<!tpu.dma_semaphore, #tpu.memory_space<semaphore_mem>>) src(%arg7 : memref<2x512xf32, #tpu.memory_space<vmem>>) dst(%dma_wait3A_207 : memref<2x512xf32, #tpu.memory_space<hbm>>)
      tpu.yield
    }) : () -> ()
    "tpu.region"() ({
      %run_scoped3A_201 = tpu.sem_alloc : memref<!tpu.dma_semaphore, #tpu.memory_space<semaphore_mem>>
      %dma_start3A = arith.constant 0 : i32
      %dma_start3A_202 = tpu.memref_slice %arg4[%dma_start3A, %mul3A_2] : memref<2x16384xi32, #tpu.memory_space<hbm>> -> memref<2x512xi32, #tpu.memory_space<hbm>>
      %dma_start3A_203 = arith.constant 0 : i32
      %dma_start3A_204 = tpu.memref_slice %arg4[%dma_start3A_203, %mul3A_2] : memref<2x16384xi32, #tpu.memory_space<hbm>> -> memref<2x512xi32, #tpu.memory_space<hbm>>
      tpu.enqueue_dma source(%arg8 : memref<2x512xi32, #tpu.memory_space<vmem>>) target(%dma_start3A_204 : memref<2x512xi32, #tpu.memory_space<hbm>>) target_semaphore(%run_scoped3A_201 : memref<!tpu.dma_semaphore, #tpu.memory_space<semaphore_mem>>)
      %dma_wait3A = arith.constant 0 : i32
      %dma_wait3A_205 = tpu.memref_slice %arg4[%dma_wait3A, %mul3A_2] : memref<2x16384xi32, #tpu.memory_space<hbm>> -> memref<2x512xi32, #tpu.memory_space<hbm>>
      %dma_wait3A_206 = arith.constant 0 : i32
      %dma_wait3A_207 = tpu.memref_slice %arg4[%dma_wait3A_206, %mul3A_2] : memref<2x16384xi32, #tpu.memory_space<hbm>> -> memref<2x512xi32, #tpu.memory_space<hbm>>
      tpu.wait_dma2 semaphore(%run_scoped3A_201 : memref<!tpu.dma_semaphore, #tpu.memory_space<semaphore_mem>>) src(%arg8 : memref<2x512xi32, #tpu.memory_space<vmem>>) dst(%dma_wait3A_207 : memref<2x512xi32, #tpu.memory_space<hbm>>)
      tpu.yield
    }) : () -> ()
    %run_scoped3A = arith.constant 0 : i32
    "tpu.region"() ({
      %run_scoped3A_201 = tpu.sem_alloc : memref<!tpu.dma_semaphore, #tpu.memory_space<semaphore_mem>>
      %dma_start3A = arith.constant 0 : i32
      %dma_start3A_202 = arith.constant 0 : i32
      %dma_start3A_203 = tpu.memref_slice %arg5[%run_scoped3A, %add3A, %dma_start3A, %dma_start3A_202] : memref<2x32x16x16xf32, #tpu.memory_space<hbm>> -> memref<1x1x16x16xf32, #tpu.memory_space<hbm>>
      %dma_start3A_204 = tpu.memref_squeeze %dma_start3A_203 : memref<1x1x16x16xf32, #tpu.memory_space<hbm>> -> memref<16x16xf32, #tpu.memory_space<hbm>>
      %dma_start3A_205 = arith.constant 0 : i32
      %dma_start3A_206 = arith.constant 0 : i32
      %dma_start3A_207 = tpu.memref_slice %arg5[%run_scoped3A, %add3A, %dma_start3A_205, %dma_start3A_206] : memref<2x32x16x16xf32, #tpu.memory_space<hbm>> -> memref<1x1x16x16xf32, #tpu.memory_space<hbm>>
      %dma_start3A_208 = tpu.memref_squeeze %dma_start3A_207 : memref<1x1x16x16xf32, #tpu.memory_space<hbm>> -> memref<16x16xf32, #tpu.memory_space<hbm>>
      tpu.enqueue_dma source(%arg9 : memref<16x16xf32, #tpu.memory_space<vmem>>) target(%dma_start3A_208 : memref<16x16xf32, #tpu.memory_space<hbm>>) target_semaphore(%run_scoped3A_201 : memref<!tpu.dma_semaphore, #tpu.memory_space<semaphore_mem>>)
      %dma_wait3A = arith.constant 0 : i32
      %dma_wait3A_209 = arith.constant 0 : i32
      %dma_wait3A_210 = tpu.memref_slice %arg5[%run_scoped3A, %add3A, %dma_wait3A, %dma_wait3A_209] : memref<2x32x16x16xf32, #tpu.memory_space<hbm>> -> memref<1x1x16x16xf32, #tpu.memory_space<hbm>>
      %dma_wait3A_211 = tpu.memref_squeeze %dma_wait3A_210 : memref<1x1x16x16xf32, #tpu.memory_space<hbm>> -> memref<16x16xf32, #tpu.memory_space<hbm>>
      %dma_wait3A_212 = arith.constant 0 : i32
      %dma_wait3A_213 = arith.constant 0 : i32
      %dma_wait3A_214 = tpu.memref_slice %arg5[%run_scoped3A, %add3A, %dma_wait3A_212, %dma_wait3A_213] : memref<2x32x16x16xf32, #tpu.memory_space<hbm>> -> memref<1x1x16x16xf32, #tpu.memory_space<hbm>>
      %dma_wait3A_215 = tpu.memref_squeeze %dma_wait3A_214 : memref<1x1x16x16xf32, #tpu.memory_space<hbm>> -> memref<16x16xf32, #tpu.memory_space<hbm>>
      tpu.wait_dma2 semaphore(%run_scoped3A_201 : memref<!tpu.dma_semaphore, #tpu.memory_space<semaphore_mem>>) src(%arg9 : memref<16x16xf32, #tpu.memory_space<vmem>>) dst(%dma_wait3A_215 : memref<16x16xf32, #tpu.memory_space<hbm>>)
      tpu.yield
    }) : () -> ()
    %run_scoped3A_200 = arith.constant 1 : i32
    "tpu.region"() ({
      %run_scoped3A_201 = tpu.sem_alloc : memref<!tpu.dma_semaphore, #tpu.memory_space<semaphore_mem>>
      %dma_start3A = arith.constant 0 : i32
      %dma_start3A_202 = arith.constant 0 : i32
      %dma_start3A_203 = tpu.memref_slice %arg5[%run_scoped3A_200, %add3A, %dma_start3A, %dma_start3A_202] : memref<2x32x16x16xf32, #tpu.memory_space<hbm>> -> memref<1x1x16x16xf32, #tpu.memory_space<hbm>>
      %dma_start3A_204 = tpu.memref_squeeze %dma_start3A_203 : memref<1x1x16x16xf32, #tpu.memory_space<hbm>> -> memref<16x16xf32, #tpu.memory_space<hbm>>
      %dma_start3A_205 = arith.constant 0 : i32
      %dma_start3A_206 = arith.constant 0 : i32
      %dma_start3A_207 = tpu.memref_slice %arg5[%run_scoped3A_200, %add3A, %dma_start3A_205, %dma_start3A_206] : memref<2x32x16x16xf32, #tpu.memory_space<hbm>> -> memref<1x1x16x16xf32, #tpu.memory_space<hbm>>
      %dma_start3A_208 = tpu.memref_squeeze %dma_start3A_207 : memref<1x1x16x16xf32, #tpu.memory_space<hbm>> -> memref<16x16xf32, #tpu.memory_space<hbm>>
      tpu.enqueue_dma source(%arg10 : memref<16x16xf32, #tpu.memory_space<vmem>>) target(%dma_start3A_208 : memref<16x16xf32, #tpu.memory_space<hbm>>) target_semaphore(%run_scoped3A_201 : memref<!tpu.dma_semaphore, #tpu.memory_space<semaphore_mem>>)
      %dma_wait3A = arith.constant 0 : i32
      %dma_wait3A_209 = arith.constant 0 : i32
      %dma_wait3A_210 = tpu.memref_slice %arg5[%run_scoped3A_200, %add3A, %dma_wait3A, %dma_wait3A_209] : memref<2x32x16x16xf32, #tpu.memory_space<hbm>> -> memref<1x1x16x16xf32, #tpu.memory_space<hbm>>
      %dma_wait3A_211 = tpu.memref_squeeze %dma_wait3A_210 : memref<1x1x16x16xf32, #tpu.memory_space<hbm>> -> memref<16x16xf32, #tpu.memory_space<hbm>>
      %dma_wait3A_212 = arith.constant 0 : i32
      %dma_wait3A_213 = arith.constant 0 : i32
      %dma_wait3A_214 = tpu.memref_slice %arg5[%run_scoped3A_200, %add3A, %dma_wait3A_212, %dma_wait3A_213] : memref<2x32x16x16xf32, #tpu.memory_space<hbm>> -> memref<1x1x16x16xf32, #tpu.memory_space<hbm>>
      %dma_wait3A_215 = tpu.memref_squeeze %dma_wait3A_214 : memref<1x1x16x16xf32, #tpu.memory_space<hbm>> -> memref<16x16xf32, #tpu.memory_space<hbm>>
      tpu.wait_dma2 semaphore(%run_scoped3A_201 : memref<!tpu.dma_semaphore, #tpu.memory_space<semaphore_mem>>) src(%arg10 : memref<16x16xf32, #tpu.memory_space<vmem>>) dst(%dma_wait3A_215 : memref<16x16xf32, #tpu.memory_space<hbm>>)
      tpu.yield
    }) : () -> ()
    return
  }
}

module attributes {stable_mosaic.version = 14 : i64} {
  func.func @_loss_kernel(%arg0: memref<2x32x16x16xf32, #tpu.memory_space<vmem>>, %arg1: memref<1x1xf32, #tpu.memory_space<vmem>>) attributes {dimension_semantics = [], scalar_prefetch = 0 : i64, scratch_operands = 0 : i64, tpu.core_type = #tpu.core_type<tc>} {
    %get3A = arith.constant 0 : index
    %get3A_0 = arith.constant 0 : index
    %get3A_1 = arith.constant 0 : index
    %get3A_2 = arith.constant 0 : index
    %get3A_3 = vector.load %arg0[%get3A, %get3A_0, %get3A_1, %get3A_2] : memref<2x32x16x16xf32, #tpu.memory_space<vmem>>, vector<2x32x16x16xf32>
    %slice3A = vector.extract_strided_slice %get3A_3 {offsets = [0, 0, 0, 0], sizes = [1, 32, 16, 16], strides = [1, 1, 1, 1]} : vector<2x32x16x16xf32> to vector<1x32x16x16xf32>
    %squeeze3A = vector.shape_cast %slice3A : vector<1x32x16x16xf32> to vector<32x16x16xf32>
    %reduce_sum3A = arith.constant dense<0.000000e+00> : vector<16xf32>
    %reduce_sum3A_4 = vector.multi_reduction <add>, %squeeze3A, %reduce_sum3A [0, 2] : vector<32x16x16xf32> to vector<16xf32>
    %slice3A_5 = vector.extract_strided_slice %get3A_3 {offsets = [1, 0, 0, 0], sizes = [1, 32, 16, 16], strides = [1, 1, 1, 1]} : vector<2x32x16x16xf32> to vector<1x32x16x16xf32>
    %squeeze3A_6 = vector.shape_cast %slice3A_5 : vector<1x32x16x16xf32> to vector<32x16x16xf32>
    %reduce_sum3A_7 = arith.constant dense<0.000000e+00> : vector<16xf32>
    %reduce_sum3A_8 = vector.multi_reduction <add>, %squeeze3A_6, %reduce_sum3A_7 [0, 2] : vector<32x16x16xf32> to vector<16xf32>
    %mul3A = arith.mulf %reduce_sum3A_4, %reduce_sum3A_8 : vector<16xf32>
    %reduce_sum3A_9 = vector.shape_cast %mul3A : vector<16xf32> to vector<1x16xf32>
    %reduce_sum3A_10 = arith.constant dense<0.000000e+00> : vector<1xf32>
    %reduce_sum3A_11 = vector.multi_reduction <add>, %reduce_sum3A_9, %reduce_sum3A_10 [1] : vector<1x16xf32> to vector<1xf32>
    %reduce_sum3A_12 = vector.shape_cast %reduce_sum3A_11 : vector<1xf32> to vector<1x1xf32>
    %reduce_sum3A_13 = vector.extract %reduce_sum3A_12[0, 0] : f32 from vector<1x1xf32>
    %broadcast_in_dim3A = vector.broadcast %reduce_sum3A_13 : f32 to vector<1xf32>
    %mul3A_14 = arith.constant 1.600000e+01 : f32
    %mul3A_15 = vector.broadcast %mul3A_14 : f32 to vector<1xf32>
    %mul3A_16 = arith.mulf %mul3A_15, %broadcast_in_dim3A : vector<1xf32>
    %div3A = arith.constant 0x4D800000 : f32
    %div3A_17 = vector.broadcast %div3A : f32 to vector<1xf32>
    %div3A_18 = arith.divf %mul3A_16, %div3A_17 : vector<1xf32>
    %reshape3A = vector.shape_cast %div3A_18 : vector<1xf32> to vector<1x1xf32>
    %swap3A = arith.constant 0 : index
    %swap3A_19 = arith.constant 0 : index
    %swap3A_20 = vector.load %arg1[%swap3A, %swap3A_19] : memref<1x1xf32, #tpu.memory_space<vmem>>, vector<1x1xf32>
    tpu.vector_store %arg1[%swap3A, %swap3A_19], %reshape3A {strides = array<i32>} : memref<1x1xf32, #tpu.memory_space<vmem>>, vector<1x1xf32>,
    return
  }
}

module attributes {stable_mosaic.version = 14 : i64} {
  func.func @_matmul_kernel(%arg0: i32, %arg1: memref<512x2048xf32, #tpu.memory_space<vmem>>, %arg2: memref<512x2048xf32, #tpu.memory_space<vmem>>, %arg3: memref<16x2048xf32, #tpu.memory_space<vmem>>, %arg4: memref<16x1024xf32, #tpu.memory_space<vmem>>) attributes {dimension_semantics = [#tpu.dimension_semantics<arbitrary>], iteration_bounds = array<i64: 16>, scalar_prefetch = 0 : i64, scratch_operands = 0 : i64, tpu.core_type = #tpu.core_type<tc>, window_params = [{transform_indices = @transform_0, window_bounds = array<i64: 512, 2048>}, {transform_indices = @transform_1, window_bounds = array<i64: 512, 2048>}, {pipeline_mode = #tpu.pipeline_mode<synchronous>, transform_indices = @transform_2, window_bounds = array<i64: 16, 2048>}, {transform_indices = @transform_3, window_bounds = array<i64: 16, 1024>}]} {
    %get3A = arith.constant 0 : index
    %get3A_0 = arith.constant 0 : index
    %get3A_1 = vector.load %arg3[%get3A, %get3A_0] : memref<16x2048xf32, #tpu.memory_space<vmem>>, vector<16x2048xf32>
    %get3A_2 = arith.constant 0 : index
    %get3A_3 = arith.constant 0 : index
    %get3A_4 = vector.load %arg1[%get3A_2, %get3A_3] : memref<512x2048xf32, #tpu.memory_space<vmem>>, vector<512x2048xf32>
    %dot_general3A = arith.constant dense<0.000000e+00> : vector<16x512xf32>
    %dot_general3A_5 = tpu.matmul %get3A_1, %get3A_4, %dot_general3A {dimension_numbers = #tpu.dot_dimension_numbers<[1], [1], [0], [0], [0, 0, 1, 0], [], []>, transpose_lhs_hint = false} : vector<16x2048xf32>, vector<512x2048xf32>, vector<16x512xf32> -> vector<16x512xf32>
    %get3A_6 = arith.constant 0 : index
    %get3A_7 = arith.constant 0 : index
    %get3A_8 = vector.load %arg2[%get3A_6, %get3A_7] : memref<512x2048xf32, #tpu.memory_space<vmem>>, vector<512x2048xf32>
    %dot_general3A_9 = arith.constant dense<0.000000e+00> : vector<16x512xf32>
    %dot_general3A_10 = tpu.matmul %get3A_1, %get3A_8, %dot_general3A_9 {dimension_numbers = #tpu.dot_dimension_numbers<[1], [1], [0], [0], [0, 0, 1, 0], [], []>, transpose_lhs_hint = false} : vector<16x2048xf32>, vector<512x2048xf32>, vector<16x512xf32> -> vector<16x512xf32>
    %concatenate3A = tpu.concatenate %dot_general3A_5, %dot_general3A_10 in 1 : vector<16x512xf32>, vector<16x512xf32> -> vector<16x1024xf32>
    %swap3A = arith.constant 0 : index
    %swap3A_11 = arith.constant 0 : index
    %swap3A_12 = vector.load %arg4[%swap3A, %swap3A_11] : memref<16x1024xf32, #tpu.memory_space<vmem>>, vector<16x1024xf32>
    tpu.vector_store %arg4[%swap3A, %swap3A_11], %concatenate3A {strides = array<i32>} : memref<16x1024xf32, #tpu.memory_space<vmem>>, vector<16x1024xf32>,
    return
  }
  func.func @transform_0(%arg0: i32) -> (i32, i32) {
    %mul3A = arith.constant 2 : i32
    %mul3A_0 = arith.muli %mul3A, %arg0 : i32
    %c0_i32 = arith.constant 0 : i32
    %c0_i32_1 = arith.constant 0 : i32
    return %mul3A_0, %c0_i32 : i32, i32
  }
  func.func @transform_1(%arg0: i32) -> (i32, i32) {
    %mul3A = arith.constant 2 : i32
    %mul3A_0 = arith.muli %mul3A, %arg0 : i32
    %add3A = arith.constant 1 : i32
    %add3A_1 = arith.addi %mul3A_0, %add3A : i32
    %c0_i32 = arith.constant 0 : i32
    %c0_i32_2 = arith.constant 0 : i32
    return %add3A_1, %c0_i32 : i32, i32
  }
  func.func @transform_2(%arg0: i32) -> (i32, i32) {
    %c0_i32 = arith.constant 0 : i32
    %c0_i32_0 = arith.constant 0 : i32
    %c0_i32_1 = arith.constant 0 : i32
    return %c0_i32, %c0_i32_0 : i32, i32
  }
  func.func @transform_3(%arg0: i32) -> (i32, i32) {
    %c0_i32 = arith.constant 0 : i32
    %c0_i32_0 = arith.constant 0 : i32
    return %c0_i32, %arg0 : i32, i32
  }
}

</mosaic_0001>

<sc_bundles>
// kernel: kernel.5.cloned.1.call-start
scs
__scs_entry_jumppad:
0x0: {  	(pc) =	sbr.rel $0x88, $3  }
0x1: {  	(tag) =	ssettag $0x0;
	lr =	simm.s32 $0x1  }
0x2: {  	[smem:$0x3F9F] =	sst lr;
	_ =	strace $0xD0000000  }
0x3: {  	_ = 	snop  }
0x4: {  	_ = 	snop  }
0x5: {  	_ = 	snop  }
0x6: {  	_ = 	snop  }
0x7: {  	_ = 	snop  }
__scs_overlays_trampoline_lowered:
0x8: {  	[smem:$0x3FAE] =	sst s0  }
0x9: {  	[smem:$0x3FAF] =	sst s1  }
0xa: {  	[smem:$0x3FB0] =	sst s2  }
0xb: {  	[smem:$0x3FB1] =	sst s3  }
0xc: {  	[smem:$0x3FB2] =	sst s4  }
0xd: {  	[smem:$0x3FB3] =	sst s5  }
0xe: {  	[smem:$0x3FB4] =	sst s6  }
0xf: {  	[smem:$0x3FB5] =	sst s7  }
0x10: {  	[smem:$0x3FB6] =	sst s8  }
0x11: {  	[smem:$0x3FB7] =	sst s9;
	s0 =	simm.s32 @!p0 $0x0  }
0x12: {  	s1 =	sld [smem:$0x3F9D];
	s0 =	simm.s32 @p0 $0x1  }
0x13: {  	[smem:$0x3FB8] =	sst s0;
	s0 =	simm.s32 @!p1 $0x0  }
0x14: {  	s2 =	sld [smem:$0x3F9C];
	s0 =	simm.s32 @p1 $0x1  }
0x15: {  	[smem:$0x3FB9] =	sst s0;
	s0 =	simm.s32 @!p2 $0x0  }
0x16: {  	s3 =	sld [smem:$0x3FDB];
	s0 =	simm.s32 @p2 $0x1  }
0x17: {  	s4 =	simm.s32 $0x1BF5;
	[smem:$0x3FBB] =	sst s0  }
0x18: {  	s0 =	sld [smem:$0x3F9E];
	_ =	swait.ge [sflag:s4], $0x0  }
0x19: {  	s7 =	sld [smem:$0x3F9F]  }
0x1a: {  	s8 =	sadd.s32 $0xFFFFE003, lr  }
0x1b: {  	s9 =	sadd.s32 $0xFFFFFEF7, lr;
	s5 =	simm.s32 $0xFFFFFFFF;
	p2 =	slt.u32 s8, $0xFFFFF086  }
0x1c: {  	p1 =	slt.u32 s9, $0xF7A;
	s5 =	simm.s32 @!p2 $0x0  }
0x1d: {  	s5 =	simm.s32 @p1 $0x1;
	p0 =	seq.s32 s7, s2  }
0x1e: {  	s7 =	smul.u32 @!p0 $0xF7A, s2;
	p2 =	seq.s32 @!p0 s5, $0x0  }
0x1f: {  	s9 =	smul.u32 $0xF7A, s1;
	s8 =	simm.s32 @!p0 $0x1BF5;
	p2 =	por !p2, p0  }
0x20: {  	[sflag:s8] =	ssyncset.s32 @!p0 $0xFFFFF086;
	s6 =	sadd.s32 @!p0 s3, s7;
	s7 =	simm.s32 @!p0 $0x108  }
0x21: {  	s3 =	sadd.s32 s3, s9;
	s6 =	sadd.s32 @!p0 $0x88, s6;
	s7 =	simm.s32 @p2 $0x1082  }
0x22: {  	[simem:s7], [sflag:s8] =	dma.local @!p0 [hbm:s6], $0xF7A  }
0x23: {  	s9 =	sor.u32 $0xD0000000, s2;
	s6 =	simm.s32 $0x108;
	_ =	swait.ge @!p0 [sflag:s8], $0x0  }
0x24: {  	s3 =	sadd.s32 $0x88, s3;
	s6 =	simm.s32 @!p1 $0x1082;
	[sflag:s4] =	ssyncset.s32 $0xFFFFF086  }
0x25: {  	[simem:s6], [sflag:s4] =	dma.local [hbm:s3], $0xF7A  }
0x26: {  	[smem:$0x3F9F] =	sst s1;
	(tag) =	ssettag s2;
	_ =	strace s9  }
0x27: {  	s1 =	sld [smem:$0x3FAF]  }
0x28: {  	s2 =	sld [smem:$0x3FB0]  }
0x29: {  	s4 =	sld [smem:$0x3FB2]  }
0x2a: {  	p0 =	seq.s32 s5, $0x0;
	s5 =	sld [smem:$0x3FB3]  }
0x2b: {  	s6 =	sld [smem:$0x3FB4]  }
0x2c: {  	s7 =	sld [smem:$0x3FB5]  }
0x2d: {  	s3 =	simm.s32 $0x108;
	s8 =	sld [smem:$0x3FB6]  }
0x2e: {  	s3 =	simm.s32 @!p0 $0x1082;
	s9 =	sld [smem:$0x3FB7]  }
0x2f: {  	lr =	sadd.s32 s0, s3;
	s0 =	sld [smem:$0x3FAE]  }
0x30: {  	s3 =	sld [smem:$0x3FB1]  }
0x31: {  	[smem:$0x3FBA] =	sst s10  }
0x32: {  	s10 =	sld [smem:$0x3FB8];
	_ =	sdelay $0x3  }
0x33: {  	p0 =	seq.s32 s10, $0x1;
	s10 =	sld [smem:$0x3FBA];
	_ =	sdelay $0x3  }
0x34: {  	[smem:$0x3FBA] =	sst s10  }
0x35: {  	s10 =	sld [smem:$0x3FB9];
	_ =	sdelay $0x3  }
0x36: {  	p1 =	seq.s32 s10, $0x1;
	s10 =	sld [smem:$0x3FBA];
	_ =	sdelay $0x3  }
0x37: {  	[smem:$0x3FBA] =	sst s10  }
0x38: {  	s10 =	sld [smem:$0x3FBB]  }
0x39: {  	_ = 	snop;
	(pc) =	sbr.ind lr, $3  }
0x3a: {  	_ = 	snop  }
0x3b: {  	_ = 	snop  }
0x3c: {  	p2 =	seq.s32 s10, $0x1;
	s10 =	sld [smem:$0x3FBA]  }
0x3d: {  	_ =	shalt  }
0x3e: {  	_ =	shalt  }
0x3f: {  	_ =	shalt  }
0x40: {  	_ =	shalt  }
0x41: {  	_ =	shalt  }
0x42: {  	_ =	shalt  }
0x43: {  	_ =	shalt  }
0x44: {  	_ =	shalt  }
0x45: {  	_ =	shalt  }
0x46: {  	_ =	shalt  }
0x47: {  	_ =	shalt  }
0x48: {  	_ =	shalt  }
0x49: {  	_ =	shalt  }
0x4a: {  	_ =	shalt  }
0x4b: {  	_ =	shalt  }
0x4c: {  	_ =	shalt  }
0x4d: {  	_ =	shalt  }
0x4e: {  	_ =	shalt  }
0x4f: {  	_ =	shalt  }
0x50: {  	_ =	shalt  }
0x51: {  	_ =	shalt  }
0x52: {  	_ =	shalt  }
0x53: {  	_ =	shalt  }
0x54: {  	_ =	shalt  }
0x55: {  	_ =	shalt  }
0x56: {  	_ =	shalt  }
0x57: {  	_ =	shalt  }
0x58: {  	_ =	shalt  }
0x59: {  	_ =	shalt  }
0x5a: {  	_ =	shalt  }
0x5b: {  	_ =	shalt  }
0x5c: {  	_ =	shalt  }
0x5d: {  	_ =	shalt  }
0x5e: {  	_ =	shalt  }
0x5f: {  	_ =	shalt  }
0x60: {  	_ =	shalt  }
0x61: {  	_ =	shalt  }
0x62: {  	_ =	shalt  }
0x63: {  	_ =	shalt  }
0x64: {  	_ =	shalt  }
0x65: {  	_ =	shalt  }
0x66: {  	_ =	shalt  }
0x67: {  	_ =	shalt  }
0x68: {  	_ =	shalt  }
0x69: {  	_ =	shalt  }
0x6a: {  	_ =	shalt  }
0x6b: {  	_ =	shalt  }
0x6c: {  	_ =	shalt  }
0x6d: {  	_ =	shalt  }
0x6e: {  	_ =	shalt  }
0x6f: {  	_ =	shalt  }
0x70: {  	_ =	shalt  }
0x71: {  	_ =	shalt  }
0x72: {  	_ =	shalt  }
0x73: {  	_ =	shalt  }
0x74: {  	_ =	shalt  }
0x75: {  	_ =	shalt  }
0x76: {  	_ =	shalt  }
0x77: {  	_ =	shalt  }
0x78: {  	_ =	shalt  }
0x79: {  	_ =	shalt  }
0x7a: {  	_ =	shalt  }
0x7b: {  	_ =	shalt  }
0x7c: {  	_ =	shalt  }
0x7d: {  	_ =	shalt  }
0x7e: {  	_ =	shalt  }
0x7f: {  	_ =	shalt  }
0x80: {  	_ =	shalt  }
0x81: {  	_ =	shalt  }
0x82: {  	_ =	shalt  }
0x83: {  	_ =	shalt  }
0x84: {  	_ =	shalt  }
0x85: {  	_ =	shalt  }
0x86: {  	_ =	shalt  }
0x87: {  	_ =	shalt  }
.Lfunc_end0:
.L_simem_size_0:
called_computation_lowered:
.L_overlay_start_0:
0x88: {  	s2 =	sld [smem:$0x3FD9]  }
0x89: {  	s3 =	sld [smem:$0x3FFE];
	_ =	sdelay $0x1  }
0x8a: {  	s1 =	srdreg.scid  }
0x8b: {  	s0 =	sand.u32 $0x1, s1  }
0x8c: {  	s14 =	sshll.u32 s0, $0xA;
	s2 =	sadd.s32 s3, s2  }
0x8d: {  	s2 =	sadd.s32 s2, s14  }
0x8e: {  	[smem:$0x3FC6] =	sst s2  }
0x8f: {  	_ = 	snop  }
0x90: {  	s2 =	sld [smem:$0x3FD0];
	_ =	sdelay $0x2  }
0x91: {  	s15 =	simm.s32 $0xA;
	s4 =	simm.s32 $0x10  }
0x92: {  	[smem:s4], [sflag:s15] =	dma.local [hbm:s2], $0x1  }
0x93: {  	_ =	swait.eq [sflag:s15], $0x1  }
0x94: {  	[sflag:s15] =	ssyncset.done $0x0  }
0x95: {  	s16 =	sld [smem:$0x10];
	[sflag:s15] =	ssyncadd.s32 $0xFFFFFFFF  }
0x96: {  	s17 =	sld [smem:$0x11];
	(tm) =	ssettm $0x1  }
0x97: {  	s18 =	sld [smem:$0x3FFB];
	_ =	sdelay $0x3  }
0x98: {  	_ =	strace s18  }
0x99: {  	s4 =	sld [smem:$0x3FFC];
	_ =	sdelay $0x3  }
0x9a: {  	_ =	strace s4  }
0x9b: {  	s4 =	sld [smem:$0x3FFD];
	_ =	sdelay $0x3  }
0x9c: {  	_ =	strace s4  }
0x9d: {  	_ =	strace $0x8FFFFFFF  }
0x9e: {  	s19 =	sld [smem:$0x3FDB];
	_ =	sdelay $0x1  }
0x9f: {  	s5 =	simm.s32 $_scs_section_size  }
0xa0: {  	s6 =	simm.s32 $_size__tile_overlayer_lowered;
	s7 =	simm.s32 $_tile_overlayer_lowered  }
0xa1: {  	s22 =	simm.s32 $0x1BFF;
	s21 =	sshll.u32 s7, $0x1;
	s4 =	sadd.s32 s5, s19  }
0xa2: {  	s8 =	simm.s32 $0x0;
	s20 =	sshll.u32 s6, $0x1;
	s6 =	sadd.s32 s21, s4  }
0xa3: {  	[timem:s8], [sflag:s22] =	dma.local [hbm:s6], s20  }
0xa4: {  	_ =	swait.ge [sflag:s22], s20  }
0xa5: {  	s5 =	ssub.s32 $0x0, s20;
	[sflag:s22] =	ssyncset.done $0x0  }
0xa6: {  	[sflag:s22] =	ssyncadd.s32 s5;
	_ =	sdelay $0x1  }
0xa7: {  	s23 =	simm.s32 $0x1B8B  }
0xa8: {  	_ =	swait.ge [sflag:s23], $0x1  }
0xa9: {  	[sflag:s23] =	ssyncset.done $0x0  }
0xaa: {  	s25 =	simm.s32 $0x1B8E;
	s24 =	sld [smem:$0x3FFE];
	[sflag:s23] =	ssyncadd.s32 $0xFFFFFFFF  }
0xab: {  	s26 =	simm.s32 $execute0_lowered;
	[smem:$0x3FD2] =	sst s25  }
0xac: {  	s6 =	sshll.u32 s26, $0x1;
	_ =	strace $0x80000046;
	[dreg:$0x1] =	wrdreg $0xFFFFFFFF  }
0xad: {  	s28 =	simm.s32 $_size_execute0_lowered;
	s4 =	sadd.s32 s4, s6;
	[dreg:$0x0] =	wrdreg $0x0  }
0xae: {  	s6 =	sshll.u32 s28, $0x1;
	[dreg:$0x2] =	wrdreg s4  }
0xaf: {  	[dreg:$0x3] =	wrdreg s6  }
0xb0: {  	[dreg:$0x4] =	wrdreg $0xC0  }
0xb1: {  	_ =	task [dreg:s8], $0x5FFFF  }
0xb2: {  	[dreg:$0x1] =	wrdreg $0xFFFFFFFF  }
0xb3: {  	[dreg:$0x0] =	wrdreg $0x60  }
0xb4: {  	[dreg:$0x2] =	wrdreg s24  }
0xb5: {  	[dreg:$0x3] =	wrdreg s16  }
0xb6: {  	[dreg:$0x4] =	wrdreg s17  }
0xb7: {  	[dreg:$0x5] =	wrdreg $0x9  }
0xb8: {  	_ =	task.clear_ibuf [dreg:s8], $0x6FFFF;
	_ =	strace $0x90000046  }
0xb9: {  	s29 =	simm.s32 $0x9;
	_ =	strace $0x80000048  }
0xba: {  	_ =	swait.ge [sflag:s29], $0x1  }
0xbb: {  	[sflag:s29] =	ssyncadd.s32 $0xFFFFFFFF  }
0xbc: {  	_ =	strace $0x90000048  }
0xbd: {  	_ =	sfence  }
0xbe: {  	s30 =	sld [smem:$0x0];
	_ =	sdelay $0x2  }
0xbf: {  	s31 =	sshll.u32 s1, $0xD;
	s1 =	sshrl.u32 s1, $0x2  }
0xc0: {  	s3 =	sand.u32 $0x4000, s31;
	s1 =	sadd.s32 s1, s30  }
0xc1: {  	s0 =	sor.u32 s3, s0;
	s1 =	sshll.u32 s1, $0x11  }
0xc2: {  	s0 =	sor.u32 s1, s0  }
0xc3: {  	s0 =	sadd.s32 $0x8F2B, s0  }
0xc4: {  	[sflag:s0] =	ssyncadd.remote.s32 $0x1  }
0xc5: {  	_ =	sfence.sel $0xFFFF  }
0xc6: {  	[dreg:$0x0] =	wrdreg $0xFFFFFFFF;
	(pc) =	sbr.abs _section_cstart, $3  }
0xc7: {  	[dreg:$0x1] =	wrdreg $0xFFFFFFFF  }
0xc8: {  	_ =	task.clear_ibuf [dreg:s8], $0x2FFFF;
	_ =	strace $0x9FFFFFFF  }
0xc9: {  	(tm) =	ssettm $0x7FFFFFFF  }
tec
execute0_lowered:
.L_overlay_start_1:
0x0: {  	(tag) =	ssettag $0x1  }
0x1: {  	s0 =	rddreg [dreg:$0x0]  }
0x2: {  	s1 =	rddreg [dreg:$0x1]  }
0x3: {  	s3 =	rddreg [dreg:$0x2];
	s2 =	simm.s32 $0x0  }
0x4: {  	s4 =	srdreg.scid;
	s5 =	stileid.u32;
	s14 =	simm.s32 $0x2880  }
0x5: {  	s15 =	simm.s32 $0x3080;
	s16 =	simm.s32 $0x2900;
	[smem:$0x7FF] =	sst s2  }
0x6: {  	s17 =	simm.s32 $0x3100;
	_ =	strace $0x80000047;
	[dreg:$0x4] =	wrdreg s14  }
0x7: {  	s19 =	simm.s32 $0x2980;
	s20 =	simm.s32 $0x3180;
	[dreg:$0x5] =	wrdreg s15  }
0x8: {  	s22 =	simm.s32 $0x2A00;
	s23 =	simm.s32 $0x3200;
	[dreg:$0x6] =	wrdreg s16  }
0x9: {  	s24 =	simm.s32 $0x2A80;
	s11 =	simm.s32 $0x1;
	[dreg:$0x7] =	wrdreg s17  }
0xa: {  	s25 =	simm.s32 $0x3280;
	s12 =	simm.s32 $0x2800;
	[dreg:$0x8] =	wrdreg s19  }
0xb: {  	s26 =	simm.s32 $0x2B00;
	s28 =	simm.s32 $0x2E80;
	[dreg:$0x9] =	wrdreg s20  }
0xc: {  	s29 =	simm.s32 $0x3680;
	s30 =	simm.s32 $0x2F00;
	[dreg:$0xa] =	wrdreg s22  }
0xd: {  	s31 =	simm.s32 $0x3700;
	s9 =	simm.s32 $0x0;
	[dreg:$0xb] =	wrdreg s23  }
0xe: {  	s4 =	sand.u32 $0x1, s4;
	s5 =	sshll.u32 s5, $0x1;
	[dreg:$0xc] =	wrdreg s24  }
0xf: {  	s5 =	sor.u32 s4, s5;
	s4 =	ssub.s32 $0x2, s4;
	[dreg:$0xd] =	wrdreg s25  }
0x10: {  	[dreg:$0xe] =	wrdreg s26;
	s14 =	simm.s32 $0x3300;
	s15 =	simm.s32 $0x2B80  }
0x11: {  	s16 =	simm.s32 $0x3380;
	s17 =	simm.s32 $0x2C00;
	s19 =	simm.s32 $0x2C80  }
0x12: {  	s20 =	simm.s32 $0x3480;
	s22 =	simm.s32 $0x3500;
	s23 =	simm.s32 $0x2D80  }
0x13: {  	s6 =	sshll.u32 s5, $0x9;
	s7 =	sshll.u32 s5, $0x8;
	s5 =	sshll.u32 s5, $0x7  }
0x14: {  	s24 =	simm.s32 $0x3580;
	s25 =	simm.s32 $0x2E00;
	s1 =	sadd.s32 s1, s5  }
0x15: {  	s6 =	sadd.s32 s6, s0;
	s3 =	sadd.s32 s3, s5;
	[dreg:$0x10] =	wrdreg s1  }
0x16: {  	s0 =	sadd.s32 s7, s0;
	s6 =	sadd.s32 $0xA00, s6;
	[dreg:$0x11] =	wrdreg s3  }
0x17: {  	s13 =	sshrl.u32 s4, $0x1;
	s18 =	sadd.s32 $0x8A00, s0;
	[dreg:$0xf] =	wrdreg s6  }
0x18: {  	s4 =	ssub.s32 s4, s13;
	s0 =	sadd.s32 $0xAA00, s0;
	[dreg:$0x12] =	wrdreg s18  }
0x19: {  	s26 =	simm.s32 $0x3600;
	s21 =	smax.u32 s4, $0x1;
	[dreg:$0x13] =	wrdreg s0  }
0x1a: {  	s13 =	simm.s32 $0x3000;
	s1 =	simm.s32 $0x3780;
	[dreg:$0x14] =	wrdreg s21  }
0x1b: {  	v0 =	vimm.f32 $0.0e+00;
	v1 =	vimm.f32 $1.600000000e+01;
	s18 =	simm.s32 $0x3400;
	s21 =	simm.s32 $0x2D00;
	s0 =	simm.s32 $0x2F80  }
.LBB2_1:
0x1c: {  	s3 =	rddreg [dreg:$0xf];
	s4 =	simm.s32 $0x1000;
	s5 =	simm.s32 $0x20000  }
0x1d: {  	[tilespmem:s2], [sflag:$0x1] =	stream.strided.gather [hbm4b:s3+s4], $0x2000, s5, s4, $0x38;
	[tilespmem:$0x3800] =	vst v63  }
0x1e: {  	_ =	swait.ge [sflag:s11], $0x2000  }
0x1f: {  	[sflag:s11] =	ssyncset.done $0x0  }
0x20: {  	[sflag:s11] =	ssyncadd.s32 $0xFFFFE000  }
0x21: {  	[tilespmem:$0x2800] =	vst v0  }
0x22: {  	[tilespmem:$0x3000] =	vst v0  }
0x23: {  	[tilespmem:$0x2880] =	vst v0  }
0x24: {  	[tilespmem:$0x3080] =	vst v0  }
0x25: {  	[tilespmem:$0x2900] =	vst v0  }
0x26: {  	[tilespmem:$0x3100] =	vst v0  }
0x27: {  	[tilespmem:$0x2980] =	vst v0  }
0x28: {  	[tilespmem:$0x3180] =	vst v0  }
0x29: {  	[tilespmem:$0x2A00] =	vst v0  }
0x2a: {  	[tilespmem:$0x3200] =	vst v0  }
0x2b: {  	[tilespmem:$0x2A80] =	vst v0  }
0x2c: {  	[tilespmem:$0x3280] =	vst v0  }
0x2d: {  	[tilespmem:$0x2B00] =	vst v0  }
0x2e: {  	[tilespmem:$0x3300] =	vst v0  }
0x2f: {  	[tilespmem:$0x2B80] =	vst v0  }
0x30: {  	[tilespmem:$0x3380] =	vst v0  }
0x31: {  	[tilespmem:$0x2C00] =	vst v0  }
0x32: {  	[tilespmem:$0x3400] =	vst v0  }
0x33: {  	[tilespmem:$0x2C80] =	vst v0  }
0x34: {  	[tilespmem:$0x3480] =	vst v0  }
0x35: {  	[tilespmem:$0x2D00] =	vst v0  }
0x36: {  	[tilespmem:$0x3500] =	vst v0  }
0x37: {  	[tilespmem:$0x2D80] =	vst v0  }
0x38: {  	[tilespmem:$0x3580] =	vst v0  }
0x39: {  	[tilespmem:$0x2E00] =	vst v0  }
0x3a: {  	[tilespmem:$0x3600] =	vst v0  }
0x3b: {  	[tilespmem:$0x2E80] =	vst v0  }
0x3c: {  	[tilespmem:$0x3680] =	vst v0  }
0x3d: {  	[tilespmem:$0x2F00] =	vst v0  }
0x3e: {  	s8 =	simm.s32 $0x0;
	[tilespmem:$0x3700] =	vst v0  }
0x3f: {  	s10 =	sand.u32 $0x70, s2;
	s4 =	sand.u32 $0x3FFFFC00, s8;
	[tilespmem:$0x2F80] =	vst v0  }
0x40: {  	s4 =	sor.u32 s10, s4;
	[tilespmem:$0x3780] =	vst v0  }
0x41: {  	v8 =	vld [tilespmem:s4+$0x0]  }
0x42: {  	v5 =	vld [tilespmem:s4+$0x80]  }
0x43: {  	v9 =	vld [tilespmem:s4+$0x100]  }
0x44: {  	v6 =	vld [tilespmem:s4+$0x180]  }
0x45: {  	v17 =	vld [tilespmem:s4+$0x200]  }
0x46: {  	v10 =	vld [tilespmem:s4+$0x280]  }
0x47: {  	v15 =	vld [tilespmem:s4+$0x300];
	v2 =	vmax.f32 v8, v5  }
0x48: {  	v19 =	vld [tilespmem:s4+$0x380];
	v2 =	vmax.f32 v2, v9  }
0x49: {  	v21 =	vld [tilespmem:s4+$0x1000];
	v2 =	vmax.f32 v2, v6  }
0x4a: {  	v20 =	vld [tilespmem:s4+$0x1080];
	v2 =	vmax.f32 v2, v17  }
0x4b: {  	v18 =	vld [tilespmem:s4+$0x1100];
	v2 =	vmax.f32 v2, v10  }
0x4c: {  	v16 =	vld [tilespmem:s4+$0x1180];
	v2 =	vmax.f32 v2, v15  }
0x4d: {  	v13 =	vld [tilespmem:s4+$0x1200];
	v2 =	vmax.f32 v2, v19  }
0x4e: {  	v11 =	vld [tilespmem:s4+$0x1280];
	v2 =	vmax.f32 v2, v21  }
0x4f: {  	v12 =	vld [tilespmem:s4+$0x1300];
	v2 =	vmax.f32 v2, v20  }
0x50: {  	v4 =	vld [tilespmem:s4+$0x1380];
	v2 =	vmax.f32 v2, v18  }
0x51: {  	v2 =	vmax.f32 v2, v16  }
0x52: {  	v2 =	vmax.f32 v2, v13  }
0x53: {  	v2 =	vmax.f32 v2, v11  }
0x54: {  	v2 =	vmax.f32 v2, v12  }
0x55: {  	v2 =	vmax.f32 v2, v4  }
0x56: {  	v7 =	vsub.f32 v4, v2;
	v22 =	vsub.f32 v16, v2  }
0x57: {  	v24 =	vsub.f32 v21, v2;
	v25 =	vsub.f32 v19, v2  }
0x58: {  	v27 =	vsub.f32 v15, v2;
	v29 =	vsub.f32 v10, v2  }
0x59: {  	vm0 =	veq.f32 v8, v2;
	v31 =	vsub.f32 v17, v2;
	v33 =	vsub.f32 v8, v2  }
0x5a: {  	vm1 =	veq.f32 v5, v2;
	v34 =	vsub.f32 v6, v2;
	v37 =	vsub.f32 v9, v2  }
0x5b: {  	vm2 =	veq.f32 v15, v2;
	v45 =	vsub.f32 v5, v2;
	v39 =	vsub.f32 v18, v2  }
0x5c: {  	v3 =	vsel vm0, $0x0, v1;
	v14 =	vsel vm1, $0x3F800000, v1;
	vm0 =	veq.f32 v6, v2  }
0x5d: {  	vm1 =	veq.f32 v17, v2;
	v28 =	vsel vm2, $0x40C00000, v1;
	vm2 =	veq.f32 v21, v2  }
0x5e: {  	v3 =	vmin.f32 v3, v14;
	v14 =	vsub.f32 v20, v2;
	v33 =	vmul.f32 $1.442695020e+00, v33  }
0x5f: {  	v23 =	vsel vm0, $0x40400000, v1;
	v46 =	vmul.f32 $1.442695020e+00, v37;
	v47 =	vmul.f32 $1.442695020e+00, v45  }
0x60: {  	vm0 =	veq.f32 v10, v2;
	v34 =	vmul.f32 $1.442695020e+00, v34;
	v31 =	vmul.f32 $1.442695020e+00, v31  }
0x61: {  	v32 =	vsel vm2, $0x41000000, v1;
	v51 =	vmul.f32 $1.442695020e+00, v29;
	v27 =	vmul.f32 $1.442695020e+00, v27  }
0x62: {  	vm2 =	veq.f32 v9, v2;
	v25 =	vmul.f32 $1.442695020e+00, v25;
	v24 =	vmul.f32 $1.442695020e+00, v24  }
0x63: {  	v48 =	vsel vm1, $0x40800000, v1;
	v57 =	vmul.f32 $1.442695020e+00, v7;
	v60 =	vmul.f32 $1.442695020e+00, v39  }
0x64: {  	v22 =	vmul.f32 $1.442695020e+00, v22;
	v45 =	vimm.s32 $0x0;
	v36 =	vsel vm2, $0x40000000, v1  }
0x65: {  	v26 =	vsel vm0, $0x40A00000, v1;
	vm0 =	veq.f32 v19, v2;
	v3 =	vmin.f32 v3, v36  }
0x66: {  	v30 =	vsel vm0, $0x40E00000, v1;
	vm0 =	veq.f32 v20, v2;
	v3 =	vmin.f32 v3, v23  }
0x67: {  	(erf) = vpow2.f32 v33;
	v14 =	vmul.f32 $1.442695020e+00, v14;
	v3 =	vmin.f32 v3, v48  }
0x68: {  	v35 =	vsel vm0, $0x41100000, v1;
	vm0 =	veq.f32 v18, v2;
	v3 =	vmin.f32 v3, v26  }
0x69: {  	(erf) = vpow2.f32 v47;
	v38 =	vsel vm0, $0x41200000, v1;
	v3 =	vmin.f32 v3, v28  }
0x6a: {  	vm0 =	veq.f32 v16, v2;
	(erf) = vpow2.f32 v31;
	v3 =	vmin.f32 v3, v30  }
0x6b: {  	v49 =	vsel vm0, $0x41300000, v1;
	vm0 =	veq.f32 v13, v2;
	v3 =	vmin.f32 v3, v32  }
0x6c: {  	(erf) = vpow2.f32 v51;
	v50 =	vsel vm0, $0x41400000, v1;
	v3 =	vmin.f32 v3, v35  }
0x6d: {  	vm0 =	veq.f32 v11, v2;
	(erf) = vpow2.f32 v27;
	v3 =	vmin.f32 v3, v38  }
0x6e: {  	v52 =	vsel vm0, $0x41500000, v1;
	vm0 =	veq.f32 v12, v2;
	v3 =	vmin.f32 v3, v49  }
0x6f: {  	v48 =	vsub.f32 v11, v2;
	(erf) = vpow2.f32 v25;
	v53 =	vsel vm0, $0x41600000, v1  }
0x70: {  	vm0 =	veq.f32 v4, v2;
	(erf) = vpow2.f32 v46;
	v26 =	vmin.f32 v3, v50  }
0x71: {  	v54 =	vsel vm0, $0x41700000, v1;
	(erf) = vpow2.f32 v14;
	v55 =	vmin.f32 v26, v52;
	v3 =	vpop (erf)  }
0x72: {  	(erf) = vpow2.f32 v34;
	v50 =	vmul.f32 $1.442695020e+00, v48;
	v56 =	vmin.f32 v55, v53;
	v7 =	vpop (erf)  }
0x73: {  	v14 =	vmin.f32 v56, v54;
	(erf) = vpow2.f32 v24;
	v58 =	vadd.f32 v7, v3  }
0x74: {  	vm13 =	veq.f32 v14, $1.000000000e+00;
	vm2 =	veq.f32 v14, $1.500000000e+01;
	vm12 =	veq.f32 v14, $2.000000000e+00  }
0x75: {  	vm5 =	veq.f32 v14, $3.000000000e+00;
	vm4 =	veq.f32 v14, $8.000000000e+00;
	vm15 =	veq.f32 v14, $0.0e+00  }
0x76: {  	(erf) = vpow2.f32 v60;
	vm11 =	veq.f32 v14, $4.000000000e+00;
	vm3 =	veq.f32 v14, $5.000000000e+00  }
0x77: {  	vm14 =	veq.f32 v14, $6.000000000e+00;
	vm6 =	veq.f32 v14, $7.000000000e+00;
	v59 =	vsel vm13, $0xFF61B1E6, v5;
	v5 =	vpop (erf)  }
0x78: {  	vm8 =	veq.f32 v14, $9.000000000e+00;
	vm10 =	veq.f32 v14, $1.000000000e+01;
	v61 =	vsel vm5, $0xFF61B1E6, v6;
	v6 =	vpop (erf)  }
0x79: {  	vm7 =	veq.f32 v14, $1.100000000e+01;
	vm0 =	veq.f32 v14, $1.200000000e+01;
	v62 =	vsel vm15, $0xFF61B1E6, v8;
	v8 =	vpop (erf)  }
0x7a: {  	vm9 =	veq.f32 v14, $1.400000000e+01;
	v63 =	vsel vm12, $0xFF61B1E6, v9;
	v39 =	vmax.f32 v62, $-3.000000010e+38;
	v9 =	vpop (erf)  }
0x7b: {  	v40 =	vsel vm11, $0xFF61B1E6, v17;
	v41 =	vsel vm3, $0xFF61B1E6, v10;
	v29 =	vmax.f32 v39, v59;
	v42 =	vpop (erf)  }
0x7c: {  	v43 =	vsel vm6, $0xFF61B1E6, v19;
	v29 =	vmax.f32 v29, v63;
	v10 =	vpop (erf);
	v23 =	vadd.f32 v58, v42  }
0x7d: {  	v21 =	vsel vm4, $0xFF61B1E6, v21;
	v20 =	vsel vm8, $0xFF61B1E6, v20;
	v29 =	vmax.f32 v29, v61;
	v44 =	vpop (erf)  }
0x7e: {  	v15 =	vsel vm14, $0xFF61B1E6, v15;
	v29 =	vmax.f32 v29, v40;
	v23 =	vadd.f32 v23, v44  }
0x7f: {  	v18 =	vsel vm10, $0xFF61B1E6, v18;
	v16 =	vsel vm7, $0xFF61B1E6, v16;
	v29 =	vmax.f32 v29, v41  }
0x80: {  	v33 =	vsel vm0, $0xFFFFFFFF, v45;
	v29 =	vmax.f32 v29, v15;
	v23 =	vadd.f32 v23, v5  }
0x81: {  	v46 =	vsel vm0, $0xFF61B1E6, v13;
	vm0 =	veq.f32 v14, $1.300000000e+01;
	v29 =	vmax.f32 v29, v43  }
0x82: {  	v13 =	vsub.f32 v13, v2;
	v29 =	vmax.f32 v29, v21;
	v23 =	vadd.f32 v23, v6  }
0x83: {  	v47 =	vsel vm9, $0xFF61B1E6, v12;
	(erf) = vpow2.f32 v22;
	v29 =	vmax.f32 v29, v20  }
0x84: {  	v13 =	vmul.f32 $1.442695020e+00, v13;
	v29 =	vmax.f32 v29, v18;
	v23 =	vadd.f32 v23, v8  }
0x85: {  	v12 =	vsub.f32 v12, v2;
	v11 =	vsel vm0, $0xFF61B1E6, v11;
	v49 =	vmax.f32 v29, v16  }
0x86: {  	v52 =	vpop (erf);
	(erf) = vpow2.f32 v13;
	v22 =	vmax.f32 v49, v46;
	v23 =	vadd.f32 v23, v9  }
0x87: {  	v53 =	vsel vm2, $0xFF61B1E6, v4;
	v12 =	vmul.f32 $1.442695020e+00, v12;
	v13 =	vmax.f32 v22, v11  }
0x88: {  	(erf) = vpow2.f32 v50;
	v13 =	vmax.f32 v13, v47;
	v4 =	vadd.f32 v23, v52  }
0x89: {  	(erf) = vpow2.f32 v57;
	v13 =	vmax.f32 v13, v53  }
0x8a: {  	(erf) = vpow2.f32 v12;
	v2 =	vsub.f32 v13, v2;
	v4 =	vadd.f32 v4, v10  }
0x8b: {  	v54 =	vpop (erf)  }
0x8c: {  	v2 =	vmul.f32 $1.442695020e+00, v2;
	v4 =	vadd.f32 v4, v54  }
0x8d: {  	v55 =	vpop (erf)  }
0x8e: {  	(erf) = vpow2.f32 v2;
	v2 =	vadd.f32 v4, v55  }
0x8f: {  	v51 =	vimm.s32 $0x0;
	v56 =	vpop (erf)  }
0x90: {  	v35 =	vsel vm0, $0xFFFFFFFF, v51;
	vm0 =	veq.f32 v59, v13;
	v4 =	vadd.f32 v2, v56  }
0x91: {  	v57 =	vpop (erf);
	v12 =	vsel vm0, $0x3F800000, v1;
	vm0 =	veq.f32 v62, v13  }
0x92: {  	v59 =	vsel vm0, $0x0, v1;
	vm0 =	veq.f32 v41, v13;
	v2 =	vpop (erf);
	v4 =	vadd.f32 v4, v57  }
0x93: {  	vm1 =	veq.f32 v61, v13;
	v31 =	vsel vm0, $0x40A00000, v1;
	vm0 =	veq.f32 v63, v13;
	v60 =	vpop (erf)  }
0x94: {  	v28 =	vsel vm0, $0x40000000, v1;
	vm0 =	veq.f32 v40, v13;
	v4 =	vadd.f32 v4, v60  }
0x95: {  	v58 =	vsel vm1, $0x40400000, v1;
	v12 =	vmin.f32 v59, v12;
	v61 =	vsel vm0, $0x40800000, v1  }
0x96: {  	v12 =	vmin.f32 v12, v28;
	vm0 =	veq.f32 v15, v13;
	v4 =	vadd.f32 v4, v2  }
0x97: {  	v12 =	vmin.f32 v12, v58;
	v15 =	vsel vm0, $0x40C00000, v1;
	vm0 =	veq.f32 v43, v13;
	v62 =	vpop (erf)  }
0x98: {  	v63 =	vadd.f32 $1.000000000e+00, v62;
	(erf) = vrcp.f32 v4;
	v4 =	vmin.f32 v12, v61  }
0x99: {  	v14 =	vtrunc.f32 v14;
	v12 =	vsel vm0, $0x40E00000, v1;
	v4 =	vmin.f32 v4, v31  }
0x9a: {  	vm0 =	veq.f32 v21, v13;
	(erf) = vrcp.f32 v63;
	v4 =	vmin.f32 v4, v15  }
0x9b: {  	v15 =	vsel vm0, $0x41000000, v1;
	vm0 =	veq.f32 v20, v13;
	v4 =	vmin.f32 v4, v12  }
0x9c: {  	v12 =	vsel vm0, $0x41100000, v1;
	vm0 =	veq.f32 v18, v13;
	v4 =	vmin.f32 v4, v15  }
0x9d: {  	v15 =	vsel vm0, $0x41200000, v1;
	vm0 =	veq.f32 v16, v13;
	v4 =	vmin.f32 v4, v12  }
0x9e: {  	v12 =	vsel vm0, $0x41300000, v1;
	vm0 =	veq.f32 v46, v13;
	v4 =	vmin.f32 v4, v15  }
0x9f: {  	v15 =	vsel vm0, $0x41400000, v1;
	vm0 =	veq.f32 v11, v13;
	v4 =	vmin.f32 v4, v12  }
0xa0: {  	v11 =	vsel vm0, $0x41500000, v1;
	vm0 =	veq.f32 v47, v13;
	v12 =	vmin.f32 v4, v15  }
0xa1: {  	s5 =	simm.s32 $0x0;
	v15 =	vsel vm0, $0x41600000, v1;
	vm0 =	veq.f32 v53, v13;
	v11 =	vmin.f32 v12, v11  }
0xa2: {  	s4 =	sand.u32 $0xFFFFFF00, s5;
	[tilespmem:$0x1FFE0] =	vst v33;
	v14 =	vcvt.f32.s32 v14;
	v12 =	vsel vm0, $0x41700000, v1;
	v4 =	vpop (erf);
	v11 =	vmin.f32 v11, v15  }
0xa3: {  	s3 =	sor.u32 s10, s4;
	[tilespmem:$0x1FFF0] =	vst v35;
	v13 =	vpop (erf);
	v11 =	vmin.f32 v11, v12  }
0xa4: {  	[tilespmem:s3+$0x2400] =	vst v14;
	v12 =	vmul.f32 v13, v62;
	v11 =	vtrunc.f32 v11  }
0xa5: {  	[tilespmem:s3+$0x2000] =	vst v13;
	v11 =	vcvt.f32.s32 v11  }
0xa6: {  	v3 =	vmul.f32 v4, v3;
	[tilespmem:s3+$0x2080] =	vst v12  }
0xa7: {  	[tilespmem:s3+$0x2480] =	vst v11  }
0xa8: {  	s6 =	rddreg [dreg:$0x4];
	v7 =	vmul.f32 v4, v7;
	v11 =	vsel vm15, $0x3F800000, v0;
	[tilespmem:s12+$0x0] =	vst.add.f32.msk $0xffff, v3  }
0xa9: {  	s7 =	rddreg [dreg:$0x5];
	[tilespmem:s13+$0x0] =	vst.add.f32.msk $0xffff, v11  }
0xaa: {  	s8 =	rddreg [dreg:$0x6];
	v3 =	vsel vm13, $0x3F800000, v0;
	v11 =	vmul.f32 v4, v42;
	[tilespmem:s6+$0x0] =	vst.add.f32.msk $0xffff, v7  }
0xab: {  	s5 =	rddreg [dreg:$0xe];
	[tilespmem:s7+$0x0] =	vst.add.f32.msk $0xffff, v3  }
0xac: {  	s10 =	rddreg [dreg:$0x7];
	v7 =	vmul.f32 v4, v44;
	v3 =	vsel vm12, $0x3F800000, v0;
	[tilespmem:s8+$0x0] =	vst.add.f32.msk $0xffff, v11  }
0xad: {  	v5 =	vmul.f32 v4, v5;
	s6 =	rddreg [dreg:$0x8];
	[tilespmem:s10+$0x0] =	vst.add.f32.msk $0xffff, v3  }
0xae: {  	v15 =	vmul.f32 v4, v6;
	v10 =	vmul.f32 v4, v10;
	s3 =	rddreg [dreg:$0x9];
	v3 =	vsel vm5, $0x3F800000, v0;
	[tilespmem:s6+$0x0] =	vst.add.f32.msk $0xffff, v7  }
0xaf: {  	v6 =	vmul.f32 v4, v56;
	v13 =	vmul.f32 v4, v8;
	s7 =	rddreg [dreg:$0xa];
	[tilespmem:s3+$0x0] =	vst.add.f32.msk $0xffff, v3  }
0xb0: {  	v8 =	vmul.f32 v4, v55;
	v12 =	vmul.f32 v4, v9;
	s8 =	rddreg [dreg:$0xb];
	v3 =	vsel vm11, $0x3F800000, v0;
	[tilespmem:s7+$0x0] =	vst.add.f32.msk $0xffff, v5  }
0xb1: {  	v14 =	vsel vm3, $0x3F800000, v0;
	v9 =	vmul.f32 v4, v54;
	v11 =	vmul.f32 v4, v52;
	s6 =	rddreg [dreg:$0xc];
	[tilespmem:s8+$0x0] =	vst.add.f32.msk $0xffff, v3  }
0xb2: {  	s4 =	rddreg [dreg:$0xd];
	s10 =	simm.s32 $0x1;
	v7 =	vmul.f32 v4, v57;
	s3 =	simm.s32 $0x0;
	v5 =	vsel vm14, $0x3F800000, v0;
	v3 =	vmul.f32 v4, v60;
	[tilespmem:s6+$0x0] =	vst.add.f32.msk $0xffff, v15  }
.LBB2_2:
0xb3: {  	[tilespmem:s4+$0x0] =	vst.add.f32.msk $0xffff, v14  }
0xb4: {  	[tilespmem:s5+$0x0] =	vst.add.f32.msk $0xffff, v13  }
0xb5: {  	[tilespmem:s14+$0x0] =	vst.add.f32.msk $0xffff, v5  }
0xb6: {  	v5 =	vsel vm6, $0x3F800000, v0;
	[tilespmem:s15+$0x0] =	vst.add.f32.msk $0xffff, v12  }
0xb7: {  	[tilespmem:s16+$0x0] =	vst.add.f32.msk $0xffff, v5  }
0xb8: {  	v5 =	vsel vm4, $0x3F800000, v0;
	[tilespmem:s17+$0x0] =	vst.add.f32.msk $0xffff, v11  }
0xb9: {  	[tilespmem:s18+$0x0] =	vst.add.f32.msk $0xffff, v5  }
0xba: {  	v5 =	vsel vm8, $0x3F800000, v0;
	[tilespmem:s19+$0x0] =	vst.add.f32.msk $0xffff, v10  }
0xbb: {  	[tilespmem:s20+$0x0] =	vst.add.f32.msk $0xffff, v5  }
0xbc: {  	v5 =	vsel vm10, $0x3F800000, v0;
	[tilespmem:s21+$0x0] =	vst.add.f32.msk $0xffff, v9  }
0xbd: {  	[tilespmem:s22+$0x0] =	vst.add.f32.msk $0xffff, v5  }
0xbe: {  	v5 =	vsel vm7, $0x3F800000, v0;
	[tilespmem:s23+$0x0] =	vst.add.f32.msk $0xffff, v8  }
0xbf: {  	[tilespmem:s24+$0x0] =	vst.add.f32.msk $0xffff, v5  }
0xc0: {  	v5 =	vld [tilespmem:$0x1FFE0];
	_ =	sdelay $0x4  }
0xc1: {  	vm0 =	vnez.u8 v5  }
0xc2: {  	[tilespmem:s25+$0x0] =	vst.add.f32.msk $0xffff, v6;
	v5 =	vsel vm0, $0x3F800000, v0  }
0xc3: {  	[tilespmem:s26+$0x0] =	vst.add.f32.msk $0xffff, v5  }
0xc4: {  	v5 =	vld [tilespmem:$0x1FFF0];
	_ =	sdelay $0x4  }
0xc5: {  	vm0 =	vnez.u8 v5  }
0xc6: {  	[tilespmem:s28+$0x0] =	vst.add.f32.msk $0xffff, v7;
	v5 =	vsel vm0, $0x3F800000, v0  }
0xc7: {  	[tilespmem:s29+$0x0] =	vst.add.f32.msk $0xffff, v5  }
0xc8: {  	s8 =	smov.u32 s10;
	v2 =	vmul.f32 v4, v2;
	v5 =	vsel vm9, $0x3F800000, v0;
	[tilespmem:s30+$0x0] =	vst.add.f32.msk $0xffff, v3  }
0xc9: {  	s3 =	sadd.s32 $0x10, s3;
	s6 =	sshll.u32 s8, $0x7;
	[tilespmem:s31+$0x0] =	vst.add.f32.msk $0xffff, v5  }
0xca: {  	s7 =	sand.u32 $0x70, s3;
	s6 =	sand.u32 $0x3FFFFC00, s6;
	v3 =	vsel vm2, $0x3F800000, v0;
	[tilespmem:s0+$0x0] =	vst.add.f32.msk $0xffff, v2  }
0xcb: {  	s6 =	sor.u32 s7, s6;
	[tilespmem:s1+$0x0] =	vst.add.f32.msk $0xffff, v3  }
0xcc: {  	v14 =	vld [tilespmem:s6+$0x0]  }
0xcd: {  	v10 =	vld [tilespmem:s6+$0x80]  }
0xce: {  	v13 =	vld [tilespmem:s6+$0x100]  }
0xcf: {  	v20 =	vld [tilespmem:s6+$0x180]  }
0xd0: {  	v19 =	vld [tilespmem:s6+$0x200]  }
0xd1: {  	v16 =	vld [tilespmem:s6+$0x280]  }
0xd2: {  	v9 =	vld [tilespmem:s6+$0x300];
	v2 =	vmax.f32 v14, v10  }
0xd3: {  	v18 =	vld [tilespmem:s6+$0x380];
	v2 =	vmax.f32 v2, v13  }
0xd4: {  	v17 =	vld [tilespmem:s6+$0x1000];
	v2 =	vmax.f32 v2, v20  }
0xd5: {  	v15 =	vld [tilespmem:s6+$0x1080];
	v2 =	vmax.f32 v2, v19  }
0xd6: {  	v12 =	vld [tilespmem:s6+$0x1100];
	v2 =	vmax.f32 v2, v16  }
0xd7: {  	v11 =	vld [tilespmem:s6+$0x1180];
	v2 =	vmax.f32 v2, v9  }
0xd8: {  	v6 =	vld [tilespmem:s6+$0x1200];
	v3 =	vmax.f32 v2, v18  }
0xd9: {  	v2 =	vld [tilespmem:s6+$0x1280];
	v3 =	vmax.f32 v3, v17  }
0xda: {  	v5 =	vld [tilespmem:s6+$0x1300];
	v3 =	vmax.f32 v3, v15  }
0xdb: {  	v22 =	vld [tilespmem:s6+$0x1380];
	v3 =	vmax.f32 v3, v12  }
0xdc: {  	v3 =	vmax.f32 v3, v11  }
0xdd: {  	v3 =	vmax.f32 v3, v6  }
0xde: {  	v3 =	vmax.f32 v3, v2  }
0xdf: {  	v3 =	vmax.f32 v3, v5  }
0xe0: {  	v41 =	vimm.s32 $0x0;
	v4 =	vmax.f32 v3, v22  }
0xe1: {  	v43 =	vimm.s32 $0x0;
	v7 =	vsub.f32 v22, v4;
	v21 =	vsub.f32 v11, v4  }
0xe2: {  	v46 =	vimm.s32 $0x0;
	v24 =	vsub.f32 v17, v4;
	v25 =	vsub.f32 v18, v4  }
0xe3: {  	vm0 =	veq.f32 v14, v4;
	v27 =	vsub.f32 v9, v4;
	v29 =	vsub.f32 v16, v4  }
0xe4: {  	vm1 =	veq.f32 v10, v4;
	v31 =	vsub.f32 v19, v4;
	v33 =	vsub.f32 v14, v4  }
0xe5: {  	vm2 =	veq.f32 v9, v4;
	v34 =	vsub.f32 v20, v4;
	v37 =	vsub.f32 v13, v4  }
0xe6: {  	v38 =	vsub.f32 v10, v4;
	v39 =	vsub.f32 v12, v4;
	v3 =	vsel vm0, $0x0, v1  }
0xe7: {  	v8 =	vsel vm1, $0x3F800000, v1;
	vm0 =	veq.f32 v20, v4;
	vm1 =	veq.f32 v16, v4  }
0xe8: {  	v28 =	vsel vm2, $0x40C00000, v1;
	vm2 =	veq.f32 v17, v4;
	v3 =	vmin.f32 v3, v8  }
0xe9: {  	v8 =	vsub.f32 v15, v4;
	v23 =	vsel vm0, $0x40400000, v1;
	vm0 =	veq.f32 v19, v4  }
0xea: {  	v26 =	vsel vm1, $0x40A00000, v1;
	v33 =	vmul.f32 $1.442695020e+00, v33;
	v49 =	vmul.f32 $1.442695020e+00, v37  }
0xeb: {  	vm1 =	veq.f32 v18, v4;
	v50 =	vmul.f32 $1.442695020e+00, v38;
	v34 =	vmul.f32 $1.442695020e+00, v34  }
0xec: {  	v32 =	vsel vm2, $0x41000000, v1;
	v31 =	vmul.f32 $1.442695020e+00, v31;
	v54 =	vmul.f32 $1.442695020e+00, v29  }
0xed: {  	vm2 =	veq.f32 v13, v4;
	v27 =	vmul.f32 $1.442695020e+00, v27;
	v25 =	vmul.f32 $1.442695020e+00, v25  }
0xee: {  	v24 =	vmul.f32 $1.442695020e+00, v24;
	v38 =	vmul.f32 $1.442695020e+00, v39;
	v39 =	vimm.s32 $0x0  }
0xef: {  	v21 =	vmul.f32 $1.442695020e+00, v21;
	v30 =	vsel vm1, $0x40E00000, v1;
	vm1 =	veq.f32 v15, v4  }
0xf0: {  	v36 =	vsel vm2, $0x40000000, v1;
	v51 =	vsel vm0, $0x40800000, v1;
	vm0 =	veq.f32 v6, v4  }
0xf1: {  	v35 =	vsel vm1, $0x41100000, v1;
	v3 =	vmin.f32 v3, v36;
	(erf) = vpow2.f32 v33  }
0xf2: {  	vm1 =	veq.f32 v12, v4;
	v53 =	vsel vm0, $0x41400000, v1;
	v3 =	vmin.f32 v3, v23  }
0xf3: {  	vm0 =	veq.f32 v2, v4;
	(erf) = vpow2.f32 v50;
	v3 =	vmin.f32 v3, v51  }
0xf4: {  	v59 =	vmul.f32 $1.442695020e+00, v8;
	v36 =	vimm.s32 $0x0;
	v3 =	vmin.f32 v3, v26  }
0xf5: {  	v48 =	vsel vm1, $0x41200000, v1;
	vm1 =	veq.f32 v11, v4;
	v3 =	vmin.f32 v3, v28  }
0xf6: {  	v55 =	vsel vm0, $0x41500000, v1;
	vm0 =	veq.f32 v5, v4;
	v3 =	vmin.f32 v3, v30  }
0xf7: {  	v50 =	vimm.s32 $0x0;
	(erf) = vpow2.f32 v31;
	v32 =	vmin.f32 v3, v32  }
0xf8: {  	v52 =	vsel vm1, $0x41300000, v1;
	v57 =	vsel vm0, $0x41600000, v1;
	v56 =	vmin.f32 v32, v35  }
0xf9: {  	vm0 =	veq.f32 v22, v4;
	(erf) = vpow2.f32 v54;
	v58 =	vmin.f32 v56, v48  }
0xfa: {  	v60 =	vsel vm0, $0x41700000, v1;
	v3 =	vpop (erf);
	v28 =	vmin.f32 v58, v52;
	(erf) = vpow2.f32 v27  }
0xfb: {  	v56 =	vimm.s32 $0x0;
	v28 =	vmin.f32 v28, v53;
	(erf) = vpow2.f32 v25  }
0xfc: {  	v25 =	vmul.f32 $1.442695020e+00, v7;
	v8 =	vpop (erf);
	v61 =	vmin.f32 v28, v55;
	(erf) = vpow2.f32 v49  }
0xfd: {  	v63 =	vadd.f32 v8, v3;
	v62 =	vmin.f32 v61, v57;
	(erf) = vpow2.f32 v59  }
0xfe: {  	v59 =	vsub.f32 v2, v4;
	v23 =	vmin.f32 v62, v60;
	(erf) = vpow2.f32 v34  }
0xff: {  	v62 =	vimm.s32 $0x0;
	vm0 =	veq.f32 v23, $1.000000000e+00;
	vm14 =	veq.f32 v23, $1.500000000e+01  }
0x100: {  	v7 =	vpop (erf);
	(erf) = vpow2.f32 v24;
	vm1 =	veq.f32 v23, $2.000000000e+00;
	vm13 =	veq.f32 v23, $8.000000000e+00  }
0x101: {  	vm2 =	veq.f32 v23, $0.0e+00;
	vm15 =	veq.f32 v23, $6.000000000e+00;
	vm11 =	veq.f32 v23, $7.000000000e+00  }
0x102: {  	vm12 =	veq.f32 v23, $9.000000000e+00;
	vm10 =	veq.f32 v23, $1.000000000e+01;
	vm9 =	veq.f32 v23, $1.400000000e+01  }
0x103: {  	v61 =	vmul.f32 $1.442695020e+00, v59;
	v37 =	vsel vm0, $0xFFFFFFFF, v36;
	v24 =	vsel vm0, $0xFF61B1E6, v10  }
0x104: {  	v40 =	vsel vm1, $0xFFFFFFFF, v39;
	vm0 =	veq.f32 v23, $3.000000000e+00;
	v10 =	vpop (erf);
	(erf) = vpow2.f32 v38  }
0x105: {  	v45 =	vsel vm2, $0xFF61B1E6, v14;
	v53 =	vsel vm11, $0xFF61B1E6, v18;
	v54 =	vsel vm13, $0xFF61B1E6, v17  }
0x106: {  	v15 =	vsel vm12, $0xFF61B1E6, v15;
	v42 =	vsel vm0, $0xFFFFFFFF, v41;
	v44 =	vsel vm0, $0xFF61B1E6, v20  }
0x107: {  	v20 =	vsel vm1, $0xFF61B1E6, v13;
	vm0 =	veq.f32 v23, $4.000000000e+00;
	v48 =	vmax.f32 v45, $-3.000000010e+38;
	v13 =	vpop (erf)  }
0x108: {  	v55 =	vsel vm15, $0xFF61B1E6, v9;
	v47 =	vsel vm0, $0xFFFFFFFF, v46;
	v29 =	vmax.f32 v48, v24;
	v14 =	vpop (erf)  }
0x109: {  	v49 =	vsel vm0, $0xFF61B1E6, v19;
	vm0 =	veq.f32 v23, $5.000000000e+00;
	v29 =	vmax.f32 v29, v20;
	v19 =	vpop (erf)  }
0x10a: {  	v52 =	vsel vm0, $0xFF61B1E6, v16;
	v29 =	vmax.f32 v29, v44;
	v16 =	vpop (erf);
	v26 =	vadd.f32 v63, v19  }
0x10b: {  	v12 =	vsel vm10, $0xFF61B1E6, v12;
	v58 =	vsel vm9, $0xFF61B1E6, v5;
	v29 =	vmax.f32 v29, v49;
	v18 =	vpop (erf)  }
0x10c: {  	vm1 =	veq.f32 v23, $1.200000000e+01;
	v29 =	vmax.f32 v29, v52;
	v26 =	vadd.f32 v26, v18  }
0x10d: {  	v35 =	vsel vm1, $0xFFFFFFFF, v56;
	v57 =	vsel vm1, $0xFF61B1E6, v6;
	v29 =	vmax.f32 v29, v55  }
0x10e: {  	vm1 =	veq.f32 v23, $1.300000000e+01;
	v29 =	vmax.f32 v29, v53;
	v26 =	vadd.f32 v26, v7  }
0x10f: {  	v6 =	vsub.f32 v6, v4;
	v51 =	vsel vm0, $0xFFFFFFFF, v50;
	v29 =	vmax.f32 v29, v54  }
0x110: {  	vm0 =	veq.f32 v23, $1.100000000e+01;
	v29 =	vmax.f32 v29, v15;
	v26 =	vadd.f32 v26, v10  }
0x111: {  	v11 =	vsel vm0, $0xFF61B1E6, v11;
	v6 =	vmul.f32 $1.442695020e+00, v6;
	v17 =	vpop (erf);
	v29 =	vmax.f32 v29, v12  }
0x112: {  	v9 =	vpop (erf);
	(erf) = vpow2.f32 v21;
	v60 =	vmax.f32 v29, v11;
	v26 =	vadd.f32 v26, v13  }
0x113: {  	v5 =	vsub.f32 v5, v4;
	v63 =	vsel vm1, $0xFF61B1E6, v2;
	v21 =	vmax.f32 v60, v57  }
0x114: {  	(erf) = vpow2.f32 v6;
	v6 =	vmax.f32 v21, v63;
	v26 =	vadd.f32 v26, v14  }
0x115: {  	v22 =	vsel vm14, $0xFF61B1E6, v22;
	v5 =	vmul.f32 $1.442695020e+00, v5;
	v6 =	vmax.f32 v6, v58  }
0x116: {  	(erf) = vpow2.f32 v61;
	v6 =	vmax.f32 v6, v22;
	v2 =	vadd.f32 v26, v17  }
0x117: {  	v28 =	vsel vm2, $0xFFFFFFFF, v43;
	(erf) = vpow2.f32 v25;
	v4 =	vsub.f32 v6, v4  }
0x118: {  	[tilespmem:$0x1FF90] =	vst v37;
	v37 =	vsel vm1, $0xFFFFFFFF, v62;
	(erf) = vpow2.f32 v5;
	v2 =	vadd.f32 v2, v16  }
0x119: {  	vm8 =	veq.f32 v57, v6;
	vm1 =	veq.f32 v45, v6;
	v4 =	vmul.f32 $1.442695020e+00, v4  }
0x11a: {  	vm2 =	veq.f32 v24, v6;
	vm3 =	veq.f32 v15, v6;
	v2 =	vadd.f32 v2, v9  }
0x11b: {  	vm5 =	veq.f32 v55, v6;
	vm6 =	veq.f32 v53, v6;
	v39 =	vpop (erf);
	(erf) = vpow2.f32 v4  }
0x11c: {  	[tilespmem:$0x1FFB0] =	vst v42;
	v5 =	vsel vm2, $0x3F800000, v1;
	v41 =	vsel vm1, $0x0, v1;
	v42 =	vadd.f32 v2, v39  }
0x11d: {  	v48 =	vsel vm5, $0x40C00000, v1;
	vm5 =	veq.f32 v11, v6;
	v11 =	vsel vm6, $0x40E00000, v1;
	v15 =	vpop (erf)  }
0x11e: {  	vm6 =	veq.f32 v20, v6;
	v4 =	vmin.f32 v41, v5;
	v5 =	vadd.f32 v42, v15  }
0x11f: {  	vm4 =	veq.f32 v49, v6;
	vm2 =	veq.f32 v44, v6;
	v50 =	vsel vm6, $0x40000000, v1;
	v44 =	vpop (erf)  }
0x120: {  	[tilespmem:$0x1FFA0] =	vst v40;
	v40 =	vsel vm2, $0x40400000, v1;
	v4 =	vmin.f32 v4, v50;
	v2 =	vpop (erf);
	v46 =	vadd.f32 v5, v44  }
0x121: {  	[tilespmem:$0x1FFC0] =	vst v47;
	v45 =	vsel vm4, $0x40800000, v1;
	vm2 =	veq.f32 v52, v6;
	v4 =	vmin.f32 v4, v40;
	v47 =	vpop (erf)  }
0x122: {  	v43 =	vsel vm2, $0x40A00000, v1;
	v4 =	vmin.f32 v4, v45;
	v21 =	vadd.f32 v46, v47  }
0x123: {  	vm7 =	veq.f32 v12, v6;
	vm1 =	veq.f32 v58, v6;
	v4 =	vmin.f32 v4, v43  }
0x124: {  	vm4 =	veq.f32 v54, v6;
	v4 =	vmin.f32 v4, v48;
	v54 =	vpop (erf);
	v21 =	vadd.f32 v21, v2  }
0x125: {  	v49 =	vsel vm4, $0x41000000, v1;
	v4 =	vmin.f32 v4, v11;
	v55 =	vadd.f32 $1.000000000e+00, v54  }
0x126: {  	[tilespmem:$0x1FFD0] =	vst v51;
	v51 =	vsel vm3, $0x41100000, v1;
	v4 =	vmin.f32 v4, v49;
	(erf) = vrcp.f32 v21  }
0x127: {  	v52 =	vsel vm7, $0x41200000, v1;
	v4 =	vmin.f32 v4, v51;
	(erf) = vrcp.f32 v55  }
0x128: {  	v56 =	vsel vm8, $0x41400000, v1;
	v53 =	vsel vm5, $0x41300000, v1;
	v57 =	vmin.f32 v4, v52  }
0x129: {  	vm7 =	vmmov vm0;
	vm0 =	veq.f32 v63, v6;
	v58 =	vmin.f32 v57, v53  }
0x12a: {  	vm2 =	veq.f32 v22, v6;
	v6 =	vsel vm0, $0x41500000, v1;
	v11 =	vmin.f32 v58, v56  }
0x12b: {  	v59 =	vsel vm1, $0x41600000, v1;
	v6 =	vmin.f32 v11, v6  }
0x12c: {  	v60 =	vsel vm2, $0x41700000, v1;
	v6 =	vmin.f32 v6, v59  }
0x12d: {  	s4 =	sshll.u32 s8, $0x5;
	v38 =	vtrunc.f32 v23;
	v6 =	vmin.f32 v6, v60  }
0x12e: {  	s4 =	sand.u32 $0xFFFFFF00, s4;
	v12 =	vcvt.f32.s32 v38;
	v6 =	vtrunc.f32 v6  }
0x12f: {  	s4 =	sor.u32 s7, s4;
	[tilespmem:$0x1FF80] =	vst v28;
	v6 =	vcvt.f32.s32 v6;
	v4 =	vpop (erf)  }
0x130: {  	[tilespmem:s4+$0x2400] =	vst v12;
	v61 =	vmul.f32 v4, v8;
	v8 =	vpop (erf)  }
0x131: {  	[tilespmem:s4+$0x2480] =	vst v6;
	v11 =	vmul.f32 v8, v54  }
0x132: {  	v3 =	vmul.f32 v4, v3;
	[tilespmem:s4+$0x2000] =	vst v8  }
0x133: {  	v6 =	vld [tilespmem:$0x1FF80];
	[tilespmem:s4+$0x2080] =	vst v11  }
0x134: {  	[tilespmem:s12+$0x0] =	vst.add.f32.msk $0xffff, v3  }
0x135: {  	v3 =	vld [tilespmem:$0x1FF90];
	_ =	sdelay $0x2  }
0x136: {  	vm0 =	vnez.u8 v6  }
0x137: {  	v62 =	vmul.f32 v4, v7;
	v7 =	vsel vm0, $0x3F800000, v0  }
0x138: {  	s8 =	rddreg [dreg:$0x4];
	[tilespmem:s13+$0x0] =	vst.add.f32.msk $0xffff, v7;
	vm0 =	vnez.u8 v3  }
0x139: {  	v12 =	vmul.f32 v4, v14;
	s4 =	rddreg [dreg:$0x5];
	[tilespmem:s8+$0x0] =	vst.add.f32.msk $0xffff, v61;
	v14 =	vsel vm0, $0x3F800000, v0  }
0x13a: {  	[tilespmem:s4+$0x0] =	vst.add.f32.msk $0xffff, v14  }
0x13b: {  	v14 =	vld [tilespmem:$0x1FFA0];
	_ =	sdelay $0x3  }
0x13c: {  	v19 =	vmul.f32 v4, v19  }
0x13d: {  	s6 =	rddreg [dreg:$0x6];
	vm0 =	vnez.u8 v14  }
0x13e: {  	s7 =	rddreg [dreg:$0x7];
	[tilespmem:s6+$0x0] =	vst.add.f32.msk $0xffff, v19;
	v14 =	vsel vm0, $0x3F800000, v0  }
0x13f: {  	[tilespmem:s7+$0x0] =	vst.add.f32.msk $0xffff, v14  }
0x140: {  	v14 =	vld [tilespmem:$0x1FFB0];
	_ =	sdelay $0x3  }
0x141: {  	v18 =	vmul.f32 v4, v18  }
0x142: {  	s8 =	rddreg [dreg:$0x8];
	vm0 =	vnez.u8 v14  }
0x143: {  	s4 =	rddreg [dreg:$0x9];
	[tilespmem:s8+$0x0] =	vst.add.f32.msk $0xffff, v18;
	v14 =	vsel vm0, $0x3F800000, v0  }
0x144: {  	[tilespmem:s4+$0x0] =	vst.add.f32.msk $0xffff, v14  }
0x145: {  	v14 =	vld [tilespmem:$0x1FFC0];
	_ =	sdelay $0x4  }
0x146: {  	s6 =	rddreg [dreg:$0xa];
	vm0 =	vnez.u8 v14  }
0x147: {  	s7 =	rddreg [dreg:$0xb];
	[tilespmem:s6+$0x0] =	vst.add.f32.msk $0xffff, v62;
	v14 =	vsel vm0, $0x3F800000, v0  }
0x148: {  	[tilespmem:s7+$0x0] =	vst.add.f32.msk $0xffff, v14  }
0x149: {  	v14 =	vld [tilespmem:$0x1FFD0]  }
0x14a: {  	p0 =	sne.s32 s10, $0x1F;
	vm8 =	vmmov vm12  }
.Ltmp0:
0x14b: {  	vm4 =	vmmov vm13;
	vm6 =	vmmov vm11;
	v63 =	vmul.f32 v4, v10;
	(pc) =	sbr.rel @p0 .LBB2_2-.Ltmp0, $4  }
0x14c: {  	vm2 =	vmmov vm14;
	v13 =	vmul.f32 v4, v13;
	v10 =	vmul.f32 v4, v16  }
0x14d: {  	s5 =	rddreg [dreg:$0xe];
	[tilespmem:$0x1FFE0] =	vst v35;
	v5 =	vsel vm15, $0x3F800000, v0;
	v9 =	vmul.f32 v4, v9;
	v6 =	vmul.f32 v4, v15  }
0x14e: {  	[tilespmem:$0x1FFF0] =	vst v37;
	v8 =	vmul.f32 v4, v39;
	v11 =	vmul.f32 v4, v17;
	s8 =	rddreg [dreg:$0xc];
	vm0 =	vnez.u8 v14  }
0x14f: {  	s10 =	sadd.s32 $0x1, s10;
	v7 =	vmul.f32 v4, v44;
	v3 =	vmul.f32 v4, v47;
	s4 =	rddreg [dreg:$0xd];
	[tilespmem:s8+$0x0] =	vst.add.f32.msk $0xffff, v63;
	v14 =	vsel vm0, $0x3F800000, v0  }
0x150: {  	[tilespmem:s4+$0x0] =	vst.add.f32.msk $0xffff, v14  }
0x151: {  	v61 =	vld [tilespmem:$0x1FFE0]  }
0x152: {  	v62 =	vld [tilespmem:$0x1FFF0]  }
0x153: {  	[tilespmem:s5+$0x0] =	vst.add.f32.msk $0xffff, v13  }
0x154: {  	[tilespmem:s14+$0x0] =	vst.add.f32.msk $0xffff, v5  }
0x155: {  	v56 =	vsel vm6, $0x3F800000, v0;
	[tilespmem:s15+$0x0] =	vst.add.f32.msk $0xffff, v12  }
0x156: {  	[tilespmem:s16+$0x0] =	vst.add.f32.msk $0xffff, v56  }
0x157: {  	v57 =	vsel vm4, $0x3F800000, v0;
	[tilespmem:s17+$0x0] =	vst.add.f32.msk $0xffff, v11  }
0x158: {  	[tilespmem:s18+$0x0] =	vst.add.f32.msk $0xffff, v57  }
0x159: {  	v58 =	vsel vm8, $0x3F800000, v0;
	[tilespmem:s19+$0x0] =	vst.add.f32.msk $0xffff, v10  }
0x15a: {  	[tilespmem:s20+$0x0] =	vst.add.f32.msk $0xffff, v58  }
0x15b: {  	v59 =	vsel vm10, $0x3F800000, v0;
	[tilespmem:s21+$0x0] =	vst.add.f32.msk $0xffff, v9  }
0x15c: {  	[tilespmem:s22+$0x0] =	vst.add.f32.msk $0xffff, v59  }
0x15d: {  	v60 =	vsel vm7, $0x3F800000, v0;
	[tilespmem:s23+$0x0] =	vst.add.f32.msk $0xffff, v8  }
0x15e: {  	vm0 =	vnez.u8 v61;
	[tilespmem:s24+$0x0] =	vst.add.f32.msk $0xffff, v60  }
0x15f: {  	v5 =	vsel vm0, $0x3F800000, v0;
	[tilespmem:s25+$0x0] =	vst.add.f32.msk $0xffff, v6  }
0x160: {  	vm15 =	vnez.u8 v62;
	[tilespmem:s26+$0x0] =	vst.add.f32.msk $0xffff, v5  }
0x161: {  	v5 =	vsel vm15, $0x3F800000, v0;
	[tilespmem:s28+$0x0] =	vst.add.f32.msk $0xffff, v7  }
0x162: {  	[tilespmem:s29+$0x0] =	vst.add.f32.msk $0xffff, v5  }
0x163: {  	v63 =	vsel vm9, $0x3F800000, v0;
	v2 =	vmul.f32 v4, v2;
	[tilespmem:s30+$0x0] =	vst.add.f32.msk $0xffff, v3  }
0x164: {  	[tilespmem:s31+$0x0] =	vst.add.f32.msk $0xffff, v63  }
0x165: {  	v3 =	vsel vm2, $0x3F800000, v0;
	[tilespmem:s0+$0x0] =	vst.add.f32.msk $0xffff, v2  }
0x166: {  	s3 =	rddreg [dreg:$0x10];
	s10 =	simm.s32 $0x2000;
	[tilespmem:s1+$0x0] =	vst.add.f32.msk $0xffff, v3  }
0x167: {  	[hbm4b:s3+s2] =	stream.linear.scatter [tilespmem:s10], [sflag:$0x1], $0x400, $0x38;
	[tilespmem:$0x3800] =	vst v63  }
0x168: {  	_ =	swait.ge [sflag:s11], $0x400  }
0x169: {  	[sflag:s11] =	ssyncset.done $0x0  }
0x16a: {  	s6 =	simm.s32 $0x2400;
	s5 =	rddreg [dreg:$0x11];
	[sflag:s11] =	ssyncadd.s32 $0xFFFFFC00  }
0x16b: {  	[hbm4b:s5+s2] =	stream.linear.scatter [tilespmem:s6], [sflag:$0x1], $0x400, $0x38;
	[tilespmem:$0x3800] =	vst v63  }
0x16c: {  	_ =	swait.ge [sflag:s11], $0x400  }
0x16d: {  	[sflag:s11] =	ssyncset.done $0x0  }
0x16e: {  	s7 =	rddreg [dreg:$0x12];
	[sflag:s11] =	ssyncadd.s32 $0xFFFFFC00  }
0x16f: {  	[hbm4b:s7+s2] =	stream.linear.scatter [tilespmem:s12], [sflag:$0x1], $0x800, $0x38;
	[tilespmem:$0x3800] =	vst v63  }
0x170: {  	_ =	swait.ge [sflag:s11], $0x800  }
0x171: {  	[sflag:s11] =	ssyncset.done $0x0  }
0x172: {  	s8 =	rddreg [dreg:$0x13];
	[sflag:s11] =	ssyncadd.s32 $0xFFFFF800  }
0x173: {  	[hbm4b:s8+s2] =	stream.linear.scatter [tilespmem:s13], [sflag:$0x1], $0x800, $0x38;
	[tilespmem:$0x3800] =	vst v63  }
0x174: {  	_ =	swait.ge [sflag:s11], $0x800  }
0x175: {  	s9 =	sadd.s32 $0x1, s9;
	s10 =	rddreg [dreg:$0x14]  }
0x176: {  	p0 =	sne.s32 s9, s10  }
.Ltmp1:
0x177: {  	_ = 	snop;
	(pc) =	sbr.rel @p0 .LBB2_1-.Ltmp1, $3  }
0x178: {  	_ =	sdelay $0x1  }
0x179: {  	[sflag:s11] =	ssyncset.done $0x0  }
0x17a: {  	[sflag:s11] =	ssyncadd.s32 $0xFFFFF800  }
0x17b: {  	_ =	sfence.sel $0x180000  }
0x17c: {  	[bflag:$0x0] =	sbarrier.arrive $0xFFFF  }
0x17d: {  	_ =	strace $0x90000047  }
0x17e: {  	s0 =	stileid.u32;
	[bflag:$0x2] =	sbarrier.arrive $0xFFFF  }
0x17f: {  	p0 =	sne.s32 s0, $0x0;
	s0 =	rddreg [dreg:$0x3]  }
0x180: {  	s0 =	sadd.s32 @!p0 $0x100000, s0  }
0x181: {  	[sflag:s0] =	ssyncadd.tile.s32 @!p0 $0x1;
	_ =	shalt  }
.Lfunc_end2:
_tile_overlayer_lowered:
.L_overlay_start_2:
0x182: {  	(tag) =	ssettag $0x2  }
0x183: {  	s0 =	rddreg [dreg:$0x0];
	s2 =	stileid.u32  }
0x184: {  	s1 =	rddreg [dreg:$0x1];
	p0 =	sne.s32 s2, $0x0  }
0x185: {  	s3 =	rddreg [dreg:$0x2];
	[bflag:$0x3] =	sbarrier.arrive $0xFFFF;
	s2 =	simm.s32 @!p0 $0x1C01  }
0x186: {  	[timem:s3], [sflag:s2] =	dma.local @!p0 [hbm:s0], s1  }
0x187: {  	s0 =	simm.s32 @!p0 $0x1  }
0x188: {  	_ =	swait.ge @!p0 [sflag:s0], s1  }
0x189: {  	s1 =	ssub.s32 @!p0 $0x0, s1;
	[sflag:s0] =	ssyncset.done @!p0 $0x0  }
0x18a: {  	[sflag:s0] =	ssyncadd.s32 @!p0 s1  }
0x18b: {  	[bflag:$0x3] =	sbarrier.arrive $0xFFFF  }
0x18c: {  	_ =	shalt  }

</sc_bundles>
